<compile_context>
chip_gen: v7x
topology: tpu7x:2x2x1
jax: 0.10.2.dev20260603
libtpu: 0.0.44.dev20260713+nightly
codegen_flags: <defaults>
</compile_context>

<pallas_src>
import functools

import jax
import jax.numpy as jnp
from jax import lax
from jax.experimental import pallas as pl
from jax.experimental.pallas import tpu as pltpu
from jax.experimental.pallas import tpu_sc as plsc

N = 10000
E = 320000
D = 128
CHUNK = 128
NCORES = 2
NSUB = 16
NW = NCORES * NSUB
CPT = 80
NPAD = NW * CPT
RPT = 632
NACC = NSUB * RPT

_MESH = plsc.VectorSubcoreMesh(core_axis_name="c", subcore_axis_name="s")


@functools.partial(
    pl.kernel,
    out_type=jax.ShapeDtypeStruct((NCORES, NACC, D), jnp.float32),
    mesh=_MESH,
    scratch_types=[
        pltpu.VMEM((CPT, CHUNK), jnp.int32),
        pltpu.VMEM((CHUNK, D), jnp.float32),
        pltpu.VMEM_SHARED((NACC, D), jnp.float32),
    ],
)
def _sc_degree(dst_hbm, ones_hbm, zeros_hbm, out_hbm, dst_v, ones_v, acc_sh):
    cid = lax.axis_index("c")
    sid = lax.axis_index("s")
    wid = sid * NCORES + cid
    pltpu.sync_copy(zeros_hbm.at[pl.ds(sid * RPT, RPT)],
                    acc_sh.at[pl.ds(sid * RPT, RPT)])
    pltpu.sync_copy(ones_hbm, ones_v)
    pltpu.sync_copy(dst_hbm.at[pl.ds(wid * CPT, CPT)], dst_v)
    plsc.subcore_barrier()

    def body(j, carry):
        pltpu.sync_copy(ones_v, acc_sh.at[dst_v.at[j]], add=True)
        return carry

    lax.fori_loop(0, CPT, body, 0)
    plsc.subcore_barrier()
    pltpu.sync_copy(acc_sh.at[pl.ds(sid * RPT, RPT)],
                    out_hbm.at[cid, pl.ds(sid * RPT, RPT)])


@functools.partial(
    pl.kernel,
    out_type=jax.ShapeDtypeStruct((NCORES, NACC, D), jnp.float32),
    mesh=_MESH,
    scratch_types=[
        pltpu.VMEM((CPT, CHUNK), jnp.int32),
        pltpu.VMEM((CPT, CHUNK), jnp.int32),
        pltpu.VMEM((CHUNK, D), jnp.float32),
        pltpu.VMEM_SHARED((NACC, D), jnp.float32),
        pltpu.SemaphoreType.DMA,
    ],
)
def _sc_scatter(hs_hbm, src_hbm, dst_hbm, zeros_hbm, out_hbm,
                src_v, dst_v, rows_v, acc_sh, sem):
    cid = lax.axis_index("c")
    sid = lax.axis_index("s")
    wid = sid * NCORES + cid
    pltpu.sync_copy(zeros_hbm.at[pl.ds(sid * RPT, RPT)],
                    acc_sh.at[pl.ds(sid * RPT, RPT)])
    pltpu.sync_copy(src_hbm.at[pl.ds(wid * CPT, CPT)], src_v)
    pltpu.sync_copy(dst_hbm.at[pl.ds(wid * CPT, CPT)], dst_v)
    plsc.subcore_barrier()

    def body(j, carry):
        pltpu.async_copy(hs_hbm.at[src_v.at[j]], rows_v, sem).wait()
        pltpu.sync_copy(rows_v, acc_sh.at[dst_v.at[j]], add=True)
        return carry

    lax.fori_loop(0, CPT, body, 0)
    plsc.subcore_barrier()
    pltpu.sync_copy(acc_sh.at[pl.ds(sid * RPT, RPT)],
                    out_hbm.at[cid, pl.ds(sid * RPT, RPT)])


def _dinv(deg_ref):
    d = deg_ref[0, :N, 0:1] + deg_ref[1, :N, 0:1] + 1.0
    return lax.rsqrt(d)


def _bn_lrelu(v, g, be):
    mu = jnp.mean(v, axis=0, keepdims=True)
    var = jnp.mean((v - mu) * (v - mu), axis=0, keepdims=True)
    o = g * (v - mu) * lax.rsqrt(var + 1e-5) + be
    return jnp.where(o > 0, o, 0.01 * o)


def _tc_pre_body(deg_ref, x_ref, w_ref, h_ref, hs_ref):
    dinv = _dinv(deg_ref)
    h = jnp.dot(x_ref[...], w_ref[...], preferred_element_type=jnp.float32)
    h_ref[...] = h
    hs_ref[...] = h * dinv


def _tc_mid_body(deg_ref, h_ref, s_ref, b_ref, g_ref, be_ref, w_ref,
                 hn_ref, hsn_ref):
    dinv = _dinv(deg_ref)
    s = s_ref[0, :N] + s_ref[1, :N]
    conv = dinv * s + (dinv * dinv) * h_ref[...] + b_ref[...]
    a = _bn_lrelu(conv, g_ref[...], be_ref[...])
    hn = jnp.dot(a, w_ref[...], preferred_element_type=jnp.float32)
    hn_ref[...] = hn
    hsn_ref[...] = hn * dinv


def _tc_fin_body(deg_ref, h_ref, s_ref, b_ref, x_ref, g_ref, be_ref,
                 lng_ref, lnb_ref, out_ref):
    dinv = _dinv(deg_ref)
    s = s_ref[0, :N] + s_ref[1, :N]
    conv = dinv * s + (dinv * dinv) * h_ref[...] + b_ref[...]
    v = conv + x_ref[...]
    mu = jnp.mean(v, axis=0, keepdims=True)
    var = jnp.mean((v - mu) * (v - mu), axis=0, keepdims=True)
    v = g_ref[...] * (v - mu) * lax.rsqrt(var + 1e-5) + be_ref[...]
    mu = jnp.mean(v, axis=1, keepdims=True)
    var = jnp.mean((v - mu) * (v - mu), axis=1, keepdims=True)
    out_ref[...] = lng_ref[...] * (v - mu) * lax.rsqrt(var + 1e-5) + lnb_ref[...]


_F32 = jnp.float32
_HH = [jax.ShapeDtypeStruct((N, D), _F32)] * 2

_tc_pre = pl.pallas_call(_tc_pre_body, out_shape=_HH)
_tc_mid = pl.pallas_call(_tc_mid_body, out_shape=_HH)
_tc_fin = pl.pallas_call(_tc_fin_body,
                         out_shape=jax.ShapeDtypeStruct((N, D), _F32))


def kernel(x, edge_index, W1, b1, g1, be1, W2, b2, g2, be2, W3, b3, g3, be3,
           W4, b4, g4, be4, ln_g, ln_b):
    pad = NPAD * CHUNK - E
    src = jnp.concatenate(
        [edge_index[0].astype(jnp.int32), jnp.zeros((pad,), jnp.int32)]
    ).reshape(NPAD, CHUNK)
    dst = jnp.concatenate(
        [edge_index[1].astype(jnp.int32), jnp.full((pad,), N, jnp.int32)]
    ).reshape(NPAD, CHUNK)
    zeros = jnp.zeros((NACC, D), _F32)
    deg = _sc_degree(dst, jnp.ones((CHUNK, D), _F32), zeros)

    h, hs = _tc_pre(deg, x, W1)
    for (bb, g, be, W) in ((b1, g1, be1, W2), (b2, g2, be2, W3),
                           (b3, g3, be3, W4)):
        s = _sc_scatter(hs, src, dst, zeros)
        h, hs = _tc_mid(deg, h, s, bb, g, be, W)
    s = _sc_scatter(hs, src, dst, zeros)
    return _tc_fin(deg, h, s, b4, x, g4, be4, ln_g, ln_b)

# --- scband reference (transcript-rebuilt; emitter-appended) ---
"""Pipeline reference for scband-gcnmodel-1005022347672 (READ-ONLY COPY).

The authoritative reference and input builder live on the scoring server;
editing this copy changes nothing except your own understanding.
"""

import jax, jax.numpy as jnp
import numpy as np

N = 10000
E = 320000
D = 128

def _gcn_conv(x, W, b, src, dst, n):
    deg = jnp.zeros((n,), dtype=x.dtype).at[dst].add(1.0)
    dinv = jnp.where(deg > 0, deg ** -0.5, 0.0)
    norm = dinv[src] * dinv[dst]
    h = x @ W
    msg = h[src] * norm[:, None]
    out = jax.ops.segment_sum(msg, dst, num_segments=n)
    return out + b

def _bn(x, g, b):
    mu = jnp.mean(x, axis=0)
    var = jnp.var(x, axis=0)
    return g * (x - mu) / jnp.sqrt(var + 1e-5) + b

def _ln(x, g, b):
    mu = jnp.mean(x, axis=-1, keepdims=True)
    var = jnp.var(x, axis=-1, keepdims=True)
    return g * (x - mu) / jnp.sqrt(var + 1e-5) + b

def setup_inputs(seed: int = 0):
    key = jax.random.key(seed)
    ks = jax.random.split(key, 8)
    x = jax.random.normal(ks[0], (N, D), dtype=jnp.float32)
    edge_index = jax.random.randint(ks[1], (2, E), 0, N)
    s = 1.0 / np.sqrt(D)
    inp = {"x": x, "edge_index": edge_index}
    for i, k in zip([1, 2, 3, 4], jax.random.split(ks[2], 4)):
        inp[f"W{i}"] = jax.random.normal(k, (D, D), dtype=jnp.float32) * s
        inp[f"b{i}"] = jnp.zeros((D,), dtype=jnp.float32)
        inp[f"g{i}"] = jnp.ones((D,), dtype=jnp.float32)
        inp[f"be{i}"] = jnp.zeros((D,), dtype=jnp.float32)
    inp["ln_g"] = jnp.ones((D,), dtype=jnp.float32)
    inp["ln_b"] = jnp.zeros((D,), dtype=jnp.float32)
    return inp

def reference(x, edge_index, W1, b1, g1, be1, W2, b2, g2, be2, W3, b3, g3, be3, W4, b4, g4, be4, ln_g, ln_b):
    n = x.shape[0]
    sl = jnp.arange(n, dtype=edge_index.dtype)
    src = jnp.concatenate([edge_index[0], sl])
    dst = jnp.concatenate([edge_index[1], sl])
    identity = x  # input_dim == output_dim -> nn.Identity residual
    h = jax.nn.leaky_relu(_bn(_gcn_conv(x, W1, b1, src, dst, n), g1, be1), 0.01)
    h = jax.nn.leaky_relu(_bn(_gcn_conv(h, W2, b2, src, dst, n), g2, be2), 0.01)
    h = jax.nn.leaky_relu(_bn(_gcn_conv(h, W3, b3, src, dst, n), g3, be3), 0.01)
    h = _gcn_conv(h, W4, b4, src, dst, n)
    h = h + identity
    return _ln(_bn(h, g4, be4), ln_g, ln_b)

if __name__ == "__main__":
    import jax
    _d = setup_inputs()
    print(jax.jit(kernel)(*tuple(_d.values())))

</pallas_src>

<mosaic_0001>
#map = affine_map<(d0, d1) -> (0, 0)>
#map1 = affine_map<(d0, d1) -> (0, 0, 0)>
module attributes {stable_mosaic.version = 14 : i64} {
  func.func @_sc_scatter(%arg0: i32, %arg1: i32, %arg2: memref<10000x128xf32, #tpu.memory_space<hbm>>, %arg3: memref<2560x128xi32, #tpu.memory_space<hbm>>, %arg4: memref<2560x128xi32, #tpu.memory_space<hbm>>, %arg5: memref<10112x128xf32, #tpu.memory_space<hbm>>, %arg6: memref<2x10112x128xf32, #tpu.memory_space<hbm>>, %arg7: memref<80x128xi32, #tpu.memory_space<vmem>>, %arg8: memref<80x128xi32, #tpu.memory_space<vmem>>, %arg9: memref<128x128xf32, #tpu.memory_space<vmem>>, %arg10: memref<10112x128xf32, #tpu.memory_space<vmem_shared>>, %arg11: memref<!tpu.dma_semaphore, #tpu.memory_space<semaphore_mem>>) attributes {dimension_semantics = [#tpu.dimension_semantics<core_parallel>, #tpu.dimension_semantics<subcore_parallel>], iteration_bounds = array<i64: 2, 16>, scalar_prefetch = 0 : i64, scratch_operands = 5 : i64, tpu.core_type = #tpu.core_type<sc_vector_subcore>, window_params = [{transform_indices = #map}, {transform_indices = #map}, {transform_indices = #map}, {transform_indices = #map}, {transform_indices = #map1}]} {
    %mul3A = arith.constant 2 : i32
    %mul3A_0 = arith.muli %arg1, %mul3A : i32
    %add3A = arith.addi %mul3A_0, %arg0 : i32
    %mul3A_1 = arith.constant 632 : i32
    %mul3A_2 = arith.muli %arg1, %mul3A_1 : i32
    %mul3A_3 = arith.constant 632 : i32
    %mul3A_4 = arith.muli %arg1, %mul3A_3 : i32
    "tpu.region"() ({
      %run_scoped3A = tpu.sem_alloc : memref<!tpu.dma_semaphore, #tpu.memory_space<semaphore_mem>>
      %dma_start3A = arith.constant 0 : i32
      %dma_start3A_19 = tpu.memref_slice %arg10[%mul3A_4, %dma_start3A] : memref<10112x128xf32, #tpu.memory_space<vmem_shared>> -> memref<632x128xf32, #tpu.memory_space<vmem_shared>>
      %dma_start3A_20 = arith.constant 0 : i32
      %dma_start3A_21 = tpu.memref_slice %arg5[%mul3A_2, %dma_start3A_20] : memref<10112x128xf32, #tpu.memory_space<hbm>> -> memref<632x128xf32, #tpu.memory_space<hbm>>
      tpu.enqueue_dma source(%dma_start3A_21 : memref<632x128xf32, #tpu.memory_space<hbm>>) target(%dma_start3A_19 : memref<632x128xf32, #tpu.memory_space<vmem_shared>>) target_semaphore(%run_scoped3A : memref<!tpu.dma_semaphore, #tpu.memory_space<semaphore_mem>>)
      %dma_wait3A = arith.constant 0 : i32
      %dma_wait3A_22 = tpu.memref_slice %arg10[%mul3A_4, %dma_wait3A] : memref<10112x128xf32, #tpu.memory_space<vmem_shared>> -> memref<632x128xf32, #tpu.memory_space<vmem_shared>>
      %dma_wait3A_23 = arith.constant 0 : i32
      %dma_wait3A_24 = tpu.memref_slice %arg5[%mul3A_2, %dma_wait3A_23] : memref<10112x128xf32, #tpu.memory_space<hbm>> -> memref<632x128xf32, #tpu.memory_space<hbm>>
      tpu.wait_dma2 semaphore(%run_scoped3A : memref<!tpu.dma_semaphore, #tpu.memory_space<semaphore_mem>>) src(%dma_wait3A_24 : memref<632x128xf32, #tpu.memory_space<hbm>>) dst(%dma_wait3A_22 : memref<632x128xf32, #tpu.memory_space<vmem_shared>>)
      tpu.yield
    }) : () -> ()
    %mul3A_5 = arith.constant 80 : i32
    %mul3A_6 = arith.muli %add3A, %mul3A_5 : i32
    "tpu.region"() ({
      %run_scoped3A = tpu.sem_alloc : memref<!tpu.dma_semaphore, #tpu.memory_space<semaphore_mem>>
      %dma_start3A = arith.constant 0 : i32
      %dma_start3A_19 = tpu.memref_slice %arg3[%mul3A_6, %dma_start3A] : memref<2560x128xi32, #tpu.memory_space<hbm>> -> memref<80x128xi32, #tpu.memory_space<hbm>>
      %dma_start3A_20 = arith.constant 0 : i32
      %dma_start3A_21 = tpu.memref_slice %arg3[%mul3A_6, %dma_start3A_20] : memref<2560x128xi32, #tpu.memory_space<hbm>> -> memref<80x128xi32, #tpu.memory_space<hbm>>
      tpu.enqueue_dma source(%dma_start3A_21 : memref<80x128xi32, #tpu.memory_space<hbm>>) target(%arg7 : memref<80x128xi32, #tpu.memory_space<vmem>>) target_semaphore(%run_scoped3A : memref<!tpu.dma_semaphore, #tpu.memory_space<semaphore_mem>>)
      %dma_wait3A = arith.constant 0 : i32
      %dma_wait3A_22 = tpu.memref_slice %arg3[%mul3A_6, %dma_wait3A] : memref<2560x128xi32, #tpu.memory_space<hbm>> -> memref<80x128xi32, #tpu.memory_space<hbm>>
      %dma_wait3A_23 = arith.constant 0 : i32
      %dma_wait3A_24 = tpu.memref_slice %arg3[%mul3A_6, %dma_wait3A_23] : memref<2560x128xi32, #tpu.memory_space<hbm>> -> memref<80x128xi32, #tpu.memory_space<hbm>>
      tpu.wait_dma2 semaphore(%run_scoped3A : memref<!tpu.dma_semaphore, #tpu.memory_space<semaphore_mem>>) src(%dma_wait3A_24 : memref<80x128xi32, #tpu.memory_space<hbm>>) dst(%arg7 : memref<80x128xi32, #tpu.memory_space<vmem>>)
      tpu.yield
    }) : () -> ()
    %mul3A_7 = arith.constant 80 : i32
    %mul3A_8 = arith.muli %add3A, %mul3A_7 : i32
    "tpu.region"() ({
      %run_scoped3A = tpu.sem_alloc : memref<!tpu.dma_semaphore, #tpu.memory_space<semaphore_mem>>
      %dma_start3A = arith.constant 0 : i32
      %dma_start3A_19 = tpu.memref_slice %arg4[%mul3A_8, %dma_start3A] : memref<2560x128xi32, #tpu.memory_space<hbm>> -> memref<80x128xi32, #tpu.memory_space<hbm>>
      %dma_start3A_20 = arith.constant 0 : i32
      %dma_start3A_21 = tpu.memref_slice %arg4[%mul3A_8, %dma_start3A_20] : memref<2560x128xi32, #tpu.memory_space<hbm>> -> memref<80x128xi32, #tpu.memory_space<hbm>>
      tpu.enqueue_dma source(%dma_start3A_21 : memref<80x128xi32, #tpu.memory_space<hbm>>) target(%arg8 : memref<80x128xi32, #tpu.memory_space<vmem>>) target_semaphore(%run_scoped3A : memref<!tpu.dma_semaphore, #tpu.memory_space<semaphore_mem>>)
      %dma_wait3A = arith.constant 0 : i32
      %dma_wait3A_22 = tpu.memref_slice %arg4[%mul3A_8, %dma_wait3A] : memref<2560x128xi32, #tpu.memory_space<hbm>> -> memref<80x128xi32, #tpu.memory_space<hbm>>
      %dma_wait3A_23 = arith.constant 0 : i32
      %dma_wait3A_24 = tpu.memref_slice %arg4[%mul3A_8, %dma_wait3A_23] : memref<2560x128xi32, #tpu.memory_space<hbm>> -> memref<80x128xi32, #tpu.memory_space<hbm>>
      tpu.wait_dma2 semaphore(%run_scoped3A : memref<!tpu.dma_semaphore, #tpu.memory_space<semaphore_mem>>) src(%dma_wait3A_24 : memref<80x128xi32, #tpu.memory_space<hbm>>) dst(%arg8 : memref<80x128xi32, #tpu.memory_space<vmem>>)
      tpu.yield
    }) : () -> ()
    %barrier3A = arith.constant 0 : index
    tpu.barrier barrier_id(%barrier3A)
    %scan3A = arith.constant 0 : i32
    %scan3A_9 = arith.constant 0 : i32
    %scan3A_10 = arith.constant 80 : i32
    %scan3A_11 = arith.addi %scan3A_9, %scan3A_10 : i32
    %scan3A_12 = arith.constant 1 : i32
    scf.for %scan3A_19 = %scan3A_9 to %scan3A_11 step %scan3A_12  : i32 {
      %dma_start3A = arith.constant 0 : i32
      %dma_start3A_20 = tpu.memref_slice %arg7[%scan3A_19, %dma_start3A] : memref<80x128xi32, #tpu.memory_space<vmem>> -> memref<1x128xi32, #tpu.memory_space<vmem>>
      %dma_start3A_21 = tpu.memref_squeeze %dma_start3A_20 : memref<1x128xi32, #tpu.memory_space<vmem>> -> memref<128xi32, #tpu.memory_space<vmem>>
      %dma_start3A_22 = arith.constant 0 : i32
      %dma_start3A_23 = arith.constant 0 : i32
      %dma_start3A_24 = tpu.memref_slice %arg2[%dma_start3A_22, %dma_start3A_23] : memref<10000x128xf32, #tpu.memory_space<hbm>> -> memref<10000x128xf32, #tpu.memory_space<hbm>>
      tpu.enqueue_indirect_dma source(%dma_start3A_24 : memref<10000x128xf32, #tpu.memory_space<hbm>>) target(%arg9 : memref<128x128xf32, #tpu.memory_space<vmem>>) offsets(%dma_start3A_21 : memref<128xi32, #tpu.memory_space<vmem>>) semaphore(%arg11 : memref<!tpu.dma_semaphore, #tpu.memory_space<semaphore_mem>>)
      %dma_wait3A = arith.constant 0 : i32
      %dma_wait3A_25 = tpu.memref_slice %arg7[%scan3A_19, %dma_wait3A] : memref<80x128xi32, #tpu.memory_space<vmem>> -> memref<1x128xi32, #tpu.memory_space<vmem>>
      %dma_wait3A_26 = tpu.memref_squeeze %dma_wait3A_25 : memref<1x128xi32, #tpu.memory_space<vmem>> -> memref<128xi32, #tpu.memory_space<vmem>>
      %dma_wait3A_27 = arith.constant 0 : i32
      %dma_wait3A_28 = arith.constant 0 : i32
      %dma_wait3A_29 = tpu.memref_slice %arg2[%dma_wait3A_27, %dma_wait3A_28] : memref<10000x128xf32, #tpu.memory_space<hbm>> -> memref<10000x128xf32, #tpu.memory_space<hbm>>
      tpu.wait_indirect_dma semaphore(%arg11 : memref<!tpu.dma_semaphore, #tpu.memory_space<semaphore_mem>>) src(%dma_wait3A_29 : memref<10000x128xf32, #tpu.memory_space<hbm>>) dst(%arg9 : memref<128x128xf32, #tpu.memory_space<vmem>>)
      "tpu.region"() ({
        %run_scoped3A = tpu.sem_alloc : memref<!tpu.dma_semaphore, #tpu.memory_space<semaphore_mem>>
        %dma_start3A_30 = arith.constant 0 : i32
        %dma_start3A_31 = tpu.memref_slice %arg8[%scan3A_19, %dma_start3A_30] : memref<80x128xi32, #tpu.memory_space<vmem>> -> memref<1x128xi32, #tpu.memory_space<vmem>>
        %dma_start3A_32 = tpu.memref_squeeze %dma_start3A_31 : memref<1x128xi32, #tpu.memory_space<vmem>> -> memref<128xi32, #tpu.memory_space<vmem>>
        %dma_start3A_33 = arith.constant 0 : i32
        %dma_start3A_34 = arith.constant 0 : i32
        %dma_start3A_35 = tpu.memref_slice %arg10[%dma_start3A_33, %dma_start3A_34] : memref<10112x128xf32, #tpu.memory_space<vmem_shared>> -> memref<10112x128xf32, #tpu.memory_space<vmem_shared>>
        tpu.enqueue_indirect_dma source(%arg9 : memref<128x128xf32, #tpu.memory_space<vmem>>) target(%dma_start3A_35 : memref<10112x128xf32, #tpu.memory_space<vmem_shared>>) offsets(%dma_start3A_32 : memref<128xi32, #tpu.memory_space<vmem>>) semaphore(%run_scoped3A : memref<!tpu.dma_semaphore, #tpu.memory_space<semaphore_mem>>) {add = true}
        %dma_wait3A_36 = arith.constant 0 : i32
        %dma_wait3A_37 = tpu.memref_slice %arg8[%scan3A_19, %dma_wait3A_36] : memref<80x128xi32, #tpu.memory_space<vmem>> -> memref<1x128xi32, #tpu.memory_space<vmem>>
        %dma_wait3A_38 = tpu.memref_squeeze %dma_wait3A_37 : memref<1x128xi32, #tpu.memory_space<vmem>> -> memref<128xi32, #tpu.memory_space<vmem>>
        %dma_wait3A_39 = arith.constant 0 : i32
        %dma_wait3A_40 = arith.constant 0 : i32
        %dma_wait3A_41 = tpu.memref_slice %arg10[%dma_wait3A_39, %dma_wait3A_40] : memref<10112x128xf32, #tpu.memory_space<vmem_shared>> -> memref<10112x128xf32, #tpu.memory_space<vmem_shared>>
        tpu.wait_indirect_dma semaphore(%run_scoped3A : memref<!tpu.dma_semaphore, #tpu.memory_space<semaphore_mem>>) src(%arg9 : memref<128x128xf32, #tpu.memory_space<vmem>>) dst(%dma_wait3A_41 : memref<10112x128xf32, #tpu.memory_space<vmem_shared>>)
        tpu.yield
      }) : () -> ()
    }
    %scan3A_13 = arith.constant 80 : i32
    %barrier3A_14 = arith.constant 0 : index
    tpu.barrier barrier_id(%barrier3A_14)
    %mul3A_15 = arith.constant 632 : i32
    %mul3A_16 = arith.muli %arg1, %mul3A_15 : i32
    %mul3A_17 = arith.constant 632 : i32
    %mul3A_18 = arith.muli %arg1, %mul3A_17 : i32
    "tpu.region"() ({
      %run_scoped3A = tpu.sem_alloc : memref<!tpu.dma_semaphore, #tpu.memory_space<semaphore_mem>>
      %dma_start3A = arith.constant 0 : i32
      %dma_start3A_19 = tpu.memref_slice %arg6[%arg0, %mul3A_18, %dma_start3A] : memref<2x10112x128xf32, #tpu.memory_space<hbm>> -> memref<1x632x128xf32, #tpu.memory_space<hbm>>
      %dma_start3A_20 = tpu.memref_squeeze %dma_start3A_19 : memref<1x632x128xf32, #tpu.memory_space<hbm>> -> memref<632x128xf32, #tpu.memory_space<hbm>>
      %dma_start3A_21 = arith.constant 0 : i32
      %dma_start3A_22 = tpu.memref_slice %arg10[%mul3A_16, %dma_start3A_21] : memref<10112x128xf32, #tpu.memory_space<vmem_shared>> -> memref<632x128xf32, #tpu.memory_space<vmem_shared>>
      tpu.enqueue_dma source(%dma_start3A_22 : memref<632x128xf32, #tpu.memory_space<vmem_shared>>) target(%dma_start3A_20 : memref<632x128xf32, #tpu.memory_space<hbm>>) target_semaphore(%run_scoped3A : memref<!tpu.dma_semaphore, #tpu.memory_space<semaphore_mem>>)
      %dma_wait3A = arith.constant 0 : i32
      %dma_wait3A_23 = tpu.memref_slice %arg6[%arg0, %mul3A_18, %dma_wait3A] : memref<2x10112x128xf32, #tpu.memory_space<hbm>> -> memref<1x632x128xf32, #tpu.memory_space<hbm>>
      %dma_wait3A_24 = tpu.memref_squeeze %dma_wait3A_23 : memref<1x632x128xf32, #tpu.memory_space<hbm>> -> memref<632x128xf32, #tpu.memory_space<hbm>>
      %dma_wait3A_25 = arith.constant 0 : i32
      %dma_wait3A_26 = tpu.memref_slice %arg10[%mul3A_16, %dma_wait3A_25] : memref<10112x128xf32, #tpu.memory_space<vmem_shared>> -> memref<632x128xf32, #tpu.memory_space<vmem_shared>>
      tpu.wait_dma2 semaphore(%run_scoped3A : memref<!tpu.dma_semaphore, #tpu.memory_space<semaphore_mem>>) src(%dma_wait3A_26 : memref<632x128xf32, #tpu.memory_space<vmem_shared>>) dst(%dma_wait3A_24 : memref<632x128xf32, #tpu.memory_space<hbm>>)
      tpu.yield
    }) : () -> ()
    return
  }
}

#map = affine_map<(d0, d1) -> (0, 0)>
#map1 = affine_map<(d0, d1) -> (0, 0, 0)>
module attributes {stable_mosaic.version = 14 : i64} {
  func.func @_sc_degree(%arg0: i32, %arg1: i32, %arg2: memref<2560x128xi32, #tpu.memory_space<hbm>>, %arg3: memref<128x128xf32, #tpu.memory_space<hbm>>, %arg4: memref<10112x128xf32, #tpu.memory_space<hbm>>, %arg5: memref<2x10112x128xf32, #tpu.memory_space<hbm>>, %arg6: memref<80x128xi32, #tpu.memory_space<vmem>>, %arg7: memref<128x128xf32, #tpu.memory_space<vmem>>, %arg8: memref<10112x128xf32, #tpu.memory_space<vmem_shared>>) attributes {dimension_semantics = [#tpu.dimension_semantics<core_parallel>, #tpu.dimension_semantics<subcore_parallel>], iteration_bounds = array<i64: 2, 16>, scalar_prefetch = 0 : i64, scratch_operands = 3 : i64, tpu.core_type = #tpu.core_type<sc_vector_subcore>, window_params = [{transform_indices = #map}, {transform_indices = #map}, {transform_indices = #map}, {transform_indices = #map1}]} {
    %mul3A = arith.constant 2 : i32
    %mul3A_0 = arith.muli %arg1, %mul3A : i32
    %add3A = arith.addi %mul3A_0, %arg0 : i32
    %mul3A_1 = arith.constant 632 : i32
    %mul3A_2 = arith.muli %arg1, %mul3A_1 : i32
    %mul3A_3 = arith.constant 632 : i32
    %mul3A_4 = arith.muli %arg1, %mul3A_3 : i32
    "tpu.region"() ({
      %run_scoped3A = tpu.sem_alloc : memref<!tpu.dma_semaphore, #tpu.memory_space<semaphore_mem>>
      %dma_start3A = arith.constant 0 : i32
      %dma_start3A_17 = tpu.memref_slice %arg8[%mul3A_4, %dma_start3A] : memref<10112x128xf32, #tpu.memory_space<vmem_shared>> -> memref<632x128xf32, #tpu.memory_space<vmem_shared>>
      %dma_start3A_18 = arith.constant 0 : i32
      %dma_start3A_19 = tpu.memref_slice %arg4[%mul3A_2, %dma_start3A_18] : memref<10112x128xf32, #tpu.memory_space<hbm>> -> memref<632x128xf32, #tpu.memory_space<hbm>>
      tpu.enqueue_dma source(%dma_start3A_19 : memref<632x128xf32, #tpu.memory_space<hbm>>) target(%dma_start3A_17 : memref<632x128xf32, #tpu.memory_space<vmem_shared>>) target_semaphore(%run_scoped3A : memref<!tpu.dma_semaphore, #tpu.memory_space<semaphore_mem>>)
      %dma_wait3A = arith.constant 0 : i32
      %dma_wait3A_20 = tpu.memref_slice %arg8[%mul3A_4, %dma_wait3A] : memref<10112x128xf32, #tpu.memory_space<vmem_shared>> -> memref<632x128xf32, #tpu.memory_space<vmem_shared>>
      %dma_wait3A_21 = arith.constant 0 : i32
      %dma_wait3A_22 = tpu.memref_slice %arg4[%mul3A_2, %dma_wait3A_21] : memref<10112x128xf32, #tpu.memory_space<hbm>> -> memref<632x128xf32, #tpu.memory_space<hbm>>
      tpu.wait_dma2 semaphore(%run_scoped3A : memref<!tpu.dma_semaphore, #tpu.memory_space<semaphore_mem>>) src(%dma_wait3A_22 : memref<632x128xf32, #tpu.memory_space<hbm>>) dst(%dma_wait3A_20 : memref<632x128xf32, #tpu.memory_space<vmem_shared>>)
      tpu.yield
    }) : () -> ()
    "tpu.region"() ({
      %run_scoped3A = tpu.sem_alloc : memref<!tpu.dma_semaphore, #tpu.memory_space<semaphore_mem>>
      tpu.enqueue_dma source(%arg3 : memref<128x128xf32, #tpu.memory_space<hbm>>) target(%arg7 : memref<128x128xf32, #tpu.memory_space<vmem>>) target_semaphore(%run_scoped3A : memref<!tpu.dma_semaphore, #tpu.memory_space<semaphore_mem>>)
      tpu.wait_dma2 semaphore(%run_scoped3A : memref<!tpu.dma_semaphore, #tpu.memory_space<semaphore_mem>>) src(%arg3 : memref<128x128xf32, #tpu.memory_space<hbm>>) dst(%arg7 : memref<128x128xf32, #tpu.memory_space<vmem>>)
      tpu.yield
    }) : () -> ()
    %mul3A_5 = arith.constant 80 : i32
    %mul3A_6 = arith.muli %add3A, %mul3A_5 : i32
    "tpu.region"() ({
      %run_scoped3A = tpu.sem_alloc : memref<!tpu.dma_semaphore, #tpu.memory_space<semaphore_mem>>
      %dma_start3A = arith.constant 0 : i32
      %dma_start3A_17 = tpu.memref_slice %arg2[%mul3A_6, %dma_start3A] : memref<2560x128xi32, #tpu.memory_space<hbm>> -> memref<80x128xi32, #tpu.memory_space<hbm>>
      %dma_start3A_18 = arith.constant 0 : i32
      %dma_start3A_19 = tpu.memref_slice %arg2[%mul3A_6, %dma_start3A_18] : memref<2560x128xi32, #tpu.memory_space<hbm>> -> memref<80x128xi32, #tpu.memory_space<hbm>>
      tpu.enqueue_dma source(%dma_start3A_19 : memref<80x128xi32, #tpu.memory_space<hbm>>) target(%arg6 : memref<80x128xi32, #tpu.memory_space<vmem>>) target_semaphore(%run_scoped3A : memref<!tpu.dma_semaphore, #tpu.memory_space<semaphore_mem>>)
      %dma_wait3A = arith.constant 0 : i32
      %dma_wait3A_20 = tpu.memref_slice %arg2[%mul3A_6, %dma_wait3A] : memref<2560x128xi32, #tpu.memory_space<hbm>> -> memref<80x128xi32, #tpu.memory_space<hbm>>
      %dma_wait3A_21 = arith.constant 0 : i32
      %dma_wait3A_22 = tpu.memref_slice %arg2[%mul3A_6, %dma_wait3A_21] : memref<2560x128xi32, #tpu.memory_space<hbm>> -> memref<80x128xi32, #tpu.memory_space<hbm>>
      tpu.wait_dma2 semaphore(%run_scoped3A : memref<!tpu.dma_semaphore, #tpu.memory_space<semaphore_mem>>) src(%dma_wait3A_22 : memref<80x128xi32, #tpu.memory_space<hbm>>) dst(%arg6 : memref<80x128xi32, #tpu.memory_space<vmem>>)
      tpu.yield
    }) : () -> ()
    %barrier3A = arith.constant 0 : index
    tpu.barrier barrier_id(%barrier3A)
    %scan3A = arith.constant 0 : i32
    %scan3A_7 = arith.constant 0 : i32
    %scan3A_8 = arith.constant 80 : i32
    %scan3A_9 = arith.addi %scan3A_7, %scan3A_8 : i32
    %scan3A_10 = arith.constant 1 : i32
    scf.for %scan3A_17 = %scan3A_7 to %scan3A_9 step %scan3A_10  : i32 {
      "tpu.region"() ({
        %run_scoped3A = tpu.sem_alloc : memref<!tpu.dma_semaphore, #tpu.memory_space<semaphore_mem>>
        %dma_start3A = arith.constant 0 : i32
        %dma_start3A_18 = tpu.memref_slice %arg6[%scan3A_17, %dma_start3A] : memref<80x128xi32, #tpu.memory_space<vmem>> -> memref<1x128xi32, #tpu.memory_space<vmem>>
        %dma_start3A_19 = tpu.memref_squeeze %dma_start3A_18 : memref<1x128xi32, #tpu.memory_space<vmem>> -> memref<128xi32, #tpu.memory_space<vmem>>
        %dma_start3A_20 = arith.constant 0 : i32
        %dma_start3A_21 = arith.constant 0 : i32
        %dma_start3A_22 = tpu.memref_slice %arg8[%dma_start3A_20, %dma_start3A_21] : memref<10112x128xf32, #tpu.memory_space<vmem_shared>> -> memref<10112x128xf32, #tpu.memory_space<vmem_shared>>
        tpu.enqueue_indirect_dma source(%arg7 : memref<128x128xf32, #tpu.memory_space<vmem>>) target(%dma_start3A_22 : memref<10112x128xf32, #tpu.memory_space<vmem_shared>>) offsets(%dma_start3A_19 : memref<128xi32, #tpu.memory_space<vmem>>) semaphore(%run_scoped3A : memref<!tpu.dma_semaphore, #tpu.memory_space<semaphore_mem>>) {add = true}
        %dma_wait3A = arith.constant 0 : i32
        %dma_wait3A_23 = tpu.memref_slice %arg6[%scan3A_17, %dma_wait3A] : memref<80x128xi32, #tpu.memory_space<vmem>> -> memref<1x128xi32, #tpu.memory_space<vmem>>
        %dma_wait3A_24 = tpu.memref_squeeze %dma_wait3A_23 : memref<1x128xi32, #tpu.memory_space<vmem>> -> memref<128xi32, #tpu.memory_space<vmem>>
        %dma_wait3A_25 = arith.constant 0 : i32
        %dma_wait3A_26 = arith.constant 0 : i32
        %dma_wait3A_27 = tpu.memref_slice %arg8[%dma_wait3A_25, %dma_wait3A_26] : memref<10112x128xf32, #tpu.memory_space<vmem_shared>> -> memref<10112x128xf32, #tpu.memory_space<vmem_shared>>
        tpu.wait_indirect_dma semaphore(%run_scoped3A : memref<!tpu.dma_semaphore, #tpu.memory_space<semaphore_mem>>) src(%arg7 : memref<128x128xf32, #tpu.memory_space<vmem>>) dst(%dma_wait3A_27 : memref<10112x128xf32, #tpu.memory_space<vmem_shared>>)
        tpu.yield
      }) : () -> ()
    }
    %scan3A_11 = arith.constant 80 : i32
    %barrier3A_12 = arith.constant 0 : index
    tpu.barrier barrier_id(%barrier3A_12)
    %mul3A_13 = arith.constant 632 : i32
    %mul3A_14 = arith.muli %arg1, %mul3A_13 : i32
    %mul3A_15 = arith.constant 632 : i32
    %mul3A_16 = arith.muli %arg1, %mul3A_15 : i32
    "tpu.region"() ({
      %run_scoped3A = tpu.sem_alloc : memref<!tpu.dma_semaphore, #tpu.memory_space<semaphore_mem>>
      %dma_start3A = arith.constant 0 : i32
      %dma_start3A_17 = tpu.memref_slice %arg5[%arg0, %mul3A_16, %dma_start3A] : memref<2x10112x128xf32, #tpu.memory_space<hbm>> -> memref<1x632x128xf32, #tpu.memory_space<hbm>>
      %dma_start3A_18 = tpu.memref_squeeze %dma_start3A_17 : memref<1x632x128xf32, #tpu.memory_space<hbm>> -> memref<632x128xf32, #tpu.memory_space<hbm>>
      %dma_start3A_19 = arith.constant 0 : i32
      %dma_start3A_20 = tpu.memref_slice %arg8[%mul3A_14, %dma_start3A_19] : memref<10112x128xf32, #tpu.memory_space<vmem_shared>> -> memref<632x128xf32, #tpu.memory_space<vmem_shared>>
      tpu.enqueue_dma source(%dma_start3A_20 : memref<632x128xf32, #tpu.memory_space<vmem_shared>>) target(%dma_start3A_18 : memref<632x128xf32, #tpu.memory_space<hbm>>) target_semaphore(%run_scoped3A : memref<!tpu.dma_semaphore, #tpu.memory_space<semaphore_mem>>)
      %dma_wait3A = arith.constant 0 : i32
      %dma_wait3A_21 = tpu.memref_slice %arg5[%arg0, %mul3A_16, %dma_wait3A] : memref<2x10112x128xf32, #tpu.memory_space<hbm>> -> memref<1x632x128xf32, #tpu.memory_space<hbm>>
      %dma_wait3A_22 = tpu.memref_squeeze %dma_wait3A_21 : memref<1x632x128xf32, #tpu.memory_space<hbm>> -> memref<632x128xf32, #tpu.memory_space<hbm>>
      %dma_wait3A_23 = arith.constant 0 : i32
      %dma_wait3A_24 = tpu.memref_slice %arg8[%mul3A_14, %dma_wait3A_23] : memref<10112x128xf32, #tpu.memory_space<vmem_shared>> -> memref<632x128xf32, #tpu.memory_space<vmem_shared>>
      tpu.wait_dma2 semaphore(%run_scoped3A : memref<!tpu.dma_semaphore, #tpu.memory_space<semaphore_mem>>) src(%dma_wait3A_24 : memref<632x128xf32, #tpu.memory_space<vmem_shared>>) dst(%dma_wait3A_22 : memref<632x128xf32, #tpu.memory_space<hbm>>)
      tpu.yield
    }) : () -> ()
    return
  }
}

#map = affine_map<(d0, d1) -> (0, 0)>
#map1 = affine_map<(d0, d1) -> (0, 0, 0)>
module attributes {stable_mosaic.version = 14 : i64} {
  func.func @_sc_scatter(%arg0: i32, %arg1: i32, %arg2: memref<10000x128xf32, #tpu.memory_space<hbm>>, %arg3: memref<2560x128xi32, #tpu.memory_space<hbm>>, %arg4: memref<2560x128xi32, #tpu.memory_space<hbm>>, %arg5: memref<10112x128xf32, #tpu.memory_space<hbm>>, %arg6: memref<2x10112x128xf32, #tpu.memory_space<hbm>>, %arg7: memref<80x128xi32, #tpu.memory_space<vmem>>, %arg8: memref<80x128xi32, #tpu.memory_space<vmem>>, %arg9: memref<128x128xf32, #tpu.memory_space<vmem>>, %arg10: memref<10112x128xf32, #tpu.memory_space<vmem_shared>>, %arg11: memref<!tpu.dma_semaphore, #tpu.memory_space<semaphore_mem>>) attributes {dimension_semantics = [#tpu.dimension_semantics<core_parallel>, #tpu.dimension_semantics<subcore_parallel>], iteration_bounds = array<i64: 2, 16>, scalar_prefetch = 0 : i64, scratch_operands = 5 : i64, tpu.core_type = #tpu.core_type<sc_vector_subcore>, window_params = [{transform_indices = #map}, {transform_indices = #map}, {transform_indices = #map}, {transform_indices = #map}, {transform_indices = #map1}]} {
    %mul3A = arith.constant 2 : i32
    %mul3A_0 = arith.muli %arg1, %mul3A : i32
    %add3A = arith.addi %mul3A_0, %arg0 : i32
    %mul3A_1 = arith.constant 632 : i32
    %mul3A_2 = arith.muli %arg1, %mul3A_1 : i32
    %mul3A_3 = arith.constant 632 : i32
    %mul3A_4 = arith.muli %arg1, %mul3A_3 : i32
    "tpu.region"() ({
      %run_scoped3A = tpu.sem_alloc : memref<!tpu.dma_semaphore, #tpu.memory_space<semaphore_mem>>
      %dma_start3A = arith.constant 0 : i32
      %dma_start3A_19 = tpu.memref_slice %arg10[%mul3A_4, %dma_start3A] : memref<10112x128xf32, #tpu.memory_space<vmem_shared>> -> memref<632x128xf32, #tpu.memory_space<vmem_shared>>
      %dma_start3A_20 = arith.constant 0 : i32
      %dma_start3A_21 = tpu.memref_slice %arg5[%mul3A_2, %dma_start3A_20] : memref<10112x128xf32, #tpu.memory_space<hbm>> -> memref<632x128xf32, #tpu.memory_space<hbm>>
      tpu.enqueue_dma source(%dma_start3A_21 : memref<632x128xf32, #tpu.memory_space<hbm>>) target(%dma_start3A_19 : memref<632x128xf32, #tpu.memory_space<vmem_shared>>) target_semaphore(%run_scoped3A : memref<!tpu.dma_semaphore, #tpu.memory_space<semaphore_mem>>)
      %dma_wait3A = arith.constant 0 : i32
      %dma_wait3A_22 = tpu.memref_slice %arg10[%mul3A_4, %dma_wait3A] : memref<10112x128xf32, #tpu.memory_space<vmem_shared>> -> memref<632x128xf32, #tpu.memory_space<vmem_shared>>
      %dma_wait3A_23 = arith.constant 0 : i32
      %dma_wait3A_24 = tpu.memref_slice %arg5[%mul3A_2, %dma_wait3A_23] : memref<10112x128xf32, #tpu.memory_space<hbm>> -> memref<632x128xf32, #tpu.memory_space<hbm>>
      tpu.wait_dma2 semaphore(%run_scoped3A : memref<!tpu.dma_semaphore, #tpu.memory_space<semaphore_mem>>) src(%dma_wait3A_24 : memref<632x128xf32, #tpu.memory_space<hbm>>) dst(%dma_wait3A_22 : memref<632x128xf32, #tpu.memory_space<vmem_shared>>)
      tpu.yield
    }) : () -> ()
    %mul3A_5 = arith.constant 80 : i32
    %mul3A_6 = arith.muli %add3A, %mul3A_5 : i32
    "tpu.region"() ({
      %run_scoped3A = tpu.sem_alloc : memref<!tpu.dma_semaphore, #tpu.memory_space<semaphore_mem>>
      %dma_start3A = arith.constant 0 : i32
      %dma_start3A_19 = tpu.memref_slice %arg3[%mul3A_6, %dma_start3A] : memref<2560x128xi32, #tpu.memory_space<hbm>> -> memref<80x128xi32, #tpu.memory_space<hbm>>
      %dma_start3A_20 = arith.constant 0 : i32
      %dma_start3A_21 = tpu.memref_slice %arg3[%mul3A_6, %dma_start3A_20] : memref<2560x128xi32, #tpu.memory_space<hbm>> -> memref<80x128xi32, #tpu.memory_space<hbm>>
      tpu.enqueue_dma source(%dma_start3A_21 : memref<80x128xi32, #tpu.memory_space<hbm>>) target(%arg7 : memref<80x128xi32, #tpu.memory_space<vmem>>) target_semaphore(%run_scoped3A : memref<!tpu.dma_semaphore, #tpu.memory_space<semaphore_mem>>)
      %dma_wait3A = arith.constant 0 : i32
      %dma_wait3A_22 = tpu.memref_slice %arg3[%mul3A_6, %dma_wait3A] : memref<2560x128xi32, #tpu.memory_space<hbm>> -> memref<80x128xi32, #tpu.memory_space<hbm>>
      %dma_wait3A_23 = arith.constant 0 : i32
      %dma_wait3A_24 = tpu.memref_slice %arg3[%mul3A_6, %dma_wait3A_23] : memref<2560x128xi32, #tpu.memory_space<hbm>> -> memref<80x128xi32, #tpu.memory_space<hbm>>
      tpu.wait_dma2 semaphore(%run_scoped3A : memref<!tpu.dma_semaphore, #tpu.memory_space<semaphore_mem>>) src(%dma_wait3A_24 : memref<80x128xi32, #tpu.memory_space<hbm>>) dst(%arg7 : memref<80x128xi32, #tpu.memory_space<vmem>>)
      tpu.yield
    }) : () -> ()
    %mul3A_7 = arith.constant 80 : i32
    %mul3A_8 = arith.muli %add3A, %mul3A_7 : i32
    "tpu.region"() ({
      %run_scoped3A = tpu.sem_alloc : memref<!tpu.dma_semaphore, #tpu.memory_space<semaphore_mem>>
      %dma_start3A = arith.constant 0 : i32
      %dma_start3A_19 = tpu.memref_slice %arg4[%mul3A_8, %dma_start3A] : memref<2560x128xi32, #tpu.memory_space<hbm>> -> memref<80x128xi32, #tpu.memory_space<hbm>>
      %dma_start3A_20 = arith.constant 0 : i32
      %dma_start3A_21 = tpu.memref_slice %arg4[%mul3A_8, %dma_start3A_20] : memref<2560x128xi32, #tpu.memory_space<hbm>> -> memref<80x128xi32, #tpu.memory_space<hbm>>
      tpu.enqueue_dma source(%dma_start3A_21 : memref<80x128xi32, #tpu.memory_space<hbm>>) target(%arg8 : memref<80x128xi32, #tpu.memory_space<vmem>>) target_semaphore(%run_scoped3A : memref<!tpu.dma_semaphore, #tpu.memory_space<semaphore_mem>>)
      %dma_wait3A = arith.constant 0 : i32
      %dma_wait3A_22 = tpu.memref_slice %arg4[%mul3A_8, %dma_wait3A] : memref<2560x128xi32, #tpu.memory_space<hbm>> -> memref<80x128xi32, #tpu.memory_space<hbm>>
      %dma_wait3A_23 = arith.constant 0 : i32
      %dma_wait3A_24 = tpu.memref_slice %arg4[%mul3A_8, %dma_wait3A_23] : memref<2560x128xi32, #tpu.memory_space<hbm>> -> memref<80x128xi32, #tpu.memory_space<hbm>>
      tpu.wait_dma2 semaphore(%run_scoped3A : memref<!tpu.dma_semaphore, #tpu.memory_space<semaphore_mem>>) src(%dma_wait3A_24 : memref<80x128xi32, #tpu.memory_space<hbm>>) dst(%arg8 : memref<80x128xi32, #tpu.memory_space<vmem>>)
      tpu.yield
    }) : () -> ()
    %barrier3A = arith.constant 0 : index
    tpu.barrier barrier_id(%barrier3A)
    %scan3A = arith.constant 0 : i32
    %scan3A_9 = arith.constant 0 : i32
    %scan3A_10 = arith.constant 80 : i32
    %scan3A_11 = arith.addi %scan3A_9, %scan3A_10 : i32
    %scan3A_12 = arith.constant 1 : i32
    scf.for %scan3A_19 = %scan3A_9 to %scan3A_11 step %scan3A_12  : i32 {
      %dma_start3A = arith.constant 0 : i32
      %dma_start3A_20 = tpu.memref_slice %arg7[%scan3A_19, %dma_start3A] : memref<80x128xi32, #tpu.memory_space<vmem>> -> memref<1x128xi32, #tpu.memory_space<vmem>>
      %dma_start3A_21 = tpu.memref_squeeze %dma_start3A_20 : memref<1x128xi32, #tpu.memory_space<vmem>> -> memref<128xi32, #tpu.memory_space<vmem>>
      %dma_start3A_22 = arith.constant 0 : i32
      %dma_start3A_23 = arith.constant 0 : i32
      %dma_start3A_24 = tpu.memref_slice %arg2[%dma_start3A_22, %dma_start3A_23] : memref<10000x128xf32, #tpu.memory_space<hbm>> -> memref<10000x128xf32, #tpu.memory_space<hbm>>
      tpu.enqueue_indirect_dma source(%dma_start3A_24 : memref<10000x128xf32, #tpu.memory_space<hbm>>) target(%arg9 : memref<128x128xf32, #tpu.memory_space<vmem>>) offsets(%dma_start3A_21 : memref<128xi32, #tpu.memory_space<vmem>>) semaphore(%arg11 : memref<!tpu.dma_semaphore, #tpu.memory_space<semaphore_mem>>)
      %dma_wait3A = arith.constant 0 : i32
      %dma_wait3A_25 = tpu.memref_slice %arg7[%scan3A_19, %dma_wait3A] : memref<80x128xi32, #tpu.memory_space<vmem>> -> memref<1x128xi32, #tpu.memory_space<vmem>>
      %dma_wait3A_26 = tpu.memref_squeeze %dma_wait3A_25 : memref<1x128xi32, #tpu.memory_space<vmem>> -> memref<128xi32, #tpu.memory_space<vmem>>
      %dma_wait3A_27 = arith.constant 0 : i32
      %dma_wait3A_28 = arith.constant 0 : i32
      %dma_wait3A_29 = tpu.memref_slice %arg2[%dma_wait3A_27, %dma_wait3A_28] : memref<10000x128xf32, #tpu.memory_space<hbm>> -> memref<10000x128xf32, #tpu.memory_space<hbm>>
      tpu.wait_indirect_dma semaphore(%arg11 : memref<!tpu.dma_semaphore, #tpu.memory_space<semaphore_mem>>) src(%dma_wait3A_29 : memref<10000x128xf32, #tpu.memory_space<hbm>>) dst(%arg9 : memref<128x128xf32, #tpu.memory_space<vmem>>)
      "tpu.region"() ({
        %run_scoped3A = tpu.sem_alloc : memref<!tpu.dma_semaphore, #tpu.memory_space<semaphore_mem>>
        %dma_start3A_30 = arith.constant 0 : i32
        %dma_start3A_31 = tpu.memref_slice %arg8[%scan3A_19, %dma_start3A_30] : memref<80x128xi32, #tpu.memory_space<vmem>> -> memref<1x128xi32, #tpu.memory_space<vmem>>
        %dma_start3A_32 = tpu.memref_squeeze %dma_start3A_31 : memref<1x128xi32, #tpu.memory_space<vmem>> -> memref<128xi32, #tpu.memory_space<vmem>>
        %dma_start3A_33 = arith.constant 0 : i32
        %dma_start3A_34 = arith.constant 0 : i32
        %dma_start3A_35 = tpu.memref_slice %arg10[%dma_start3A_33, %dma_start3A_34] : memref<10112x128xf32, #tpu.memory_space<vmem_shared>> -> memref<10112x128xf32, #tpu.memory_space<vmem_shared>>
        tpu.enqueue_indirect_dma source(%arg9 : memref<128x128xf32, #tpu.memory_space<vmem>>) target(%dma_start3A_35 : memref<10112x128xf32, #tpu.memory_space<vmem_shared>>) offsets(%dma_start3A_32 : memref<128xi32, #tpu.memory_space<vmem>>) semaphore(%run_scoped3A : memref<!tpu.dma_semaphore, #tpu.memory_space<semaphore_mem>>) {add = true}
        %dma_wait3A_36 = arith.constant 0 : i32
        %dma_wait3A_37 = tpu.memref_slice %arg8[%scan3A_19, %dma_wait3A_36] : memref<80x128xi32, #tpu.memory_space<vmem>> -> memref<1x128xi32, #tpu.memory_space<vmem>>
        %dma_wait3A_38 = tpu.memref_squeeze %dma_wait3A_37 : memref<1x128xi32, #tpu.memory_space<vmem>> -> memref<128xi32, #tpu.memory_space<vmem>>
        %dma_wait3A_39 = arith.constant 0 : i32
        %dma_wait3A_40 = arith.constant 0 : i32
        %dma_wait3A_41 = tpu.memref_slice %arg10[%dma_wait3A_39, %dma_wait3A_40] : memref<10112x128xf32, #tpu.memory_space<vmem_shared>> -> memref<10112x128xf32, #tpu.memory_space<vmem_shared>>
        tpu.wait_indirect_dma semaphore(%run_scoped3A : memref<!tpu.dma_semaphore, #tpu.memory_space<semaphore_mem>>) src(%arg9 : memref<128x128xf32, #tpu.memory_space<vmem>>) dst(%dma_wait3A_41 : memref<10112x128xf32, #tpu.memory_space<vmem_shared>>)
        tpu.yield
      }) : () -> ()
    }
    %scan3A_13 = arith.constant 80 : i32
    %barrier3A_14 = arith.constant 0 : index
    tpu.barrier barrier_id(%barrier3A_14)
    %mul3A_15 = arith.constant 632 : i32
    %mul3A_16 = arith.muli %arg1, %mul3A_15 : i32
    %mul3A_17 = arith.constant 632 : i32
    %mul3A_18 = arith.muli %arg1, %mul3A_17 : i32
    "tpu.region"() ({
      %run_scoped3A = tpu.sem_alloc : memref<!tpu.dma_semaphore, #tpu.memory_space<semaphore_mem>>
      %dma_start3A = arith.constant 0 : i32
      %dma_start3A_19 = tpu.memref_slice %arg6[%arg0, %mul3A_18, %dma_start3A] : memref<2x10112x128xf32, #tpu.memory_space<hbm>> -> memref<1x632x128xf32, #tpu.memory_space<hbm>>
      %dma_start3A_20 = tpu.memref_squeeze %dma_start3A_19 : memref<1x632x128xf32, #tpu.memory_space<hbm>> -> memref<632x128xf32, #tpu.memory_space<hbm>>
      %dma_start3A_21 = arith.constant 0 : i32
      %dma_start3A_22 = tpu.memref_slice %arg10[%mul3A_16, %dma_start3A_21] : memref<10112x128xf32, #tpu.memory_space<vmem_shared>> -> memref<632x128xf32, #tpu.memory_space<vmem_shared>>
      tpu.enqueue_dma source(%dma_start3A_22 : memref<632x128xf32, #tpu.memory_space<vmem_shared>>) target(%dma_start3A_20 : memref<632x128xf32, #tpu.memory_space<hbm>>) target_semaphore(%run_scoped3A : memref<!tpu.dma_semaphore, #tpu.memory_space<semaphore_mem>>)
      %dma_wait3A = arith.constant 0 : i32
      %dma_wait3A_23 = tpu.memref_slice %arg6[%arg0, %mul3A_18, %dma_wait3A] : memref<2x10112x128xf32, #tpu.memory_space<hbm>> -> memref<1x632x128xf32, #tpu.memory_space<hbm>>
      %dma_wait3A_24 = tpu.memref_squeeze %dma_wait3A_23 : memref<1x632x128xf32, #tpu.memory_space<hbm>> -> memref<632x128xf32, #tpu.memory_space<hbm>>
      %dma_wait3A_25 = arith.constant 0 : i32
      %dma_wait3A_26 = tpu.memref_slice %arg10[%mul3A_16, %dma_wait3A_25] : memref<10112x128xf32, #tpu.memory_space<vmem_shared>> -> memref<632x128xf32, #tpu.memory_space<vmem_shared>>
      tpu.wait_dma2 semaphore(%run_scoped3A : memref<!tpu.dma_semaphore, #tpu.memory_space<semaphore_mem>>) src(%dma_wait3A_26 : memref<632x128xf32, #tpu.memory_space<vmem_shared>>) dst(%dma_wait3A_24 : memref<632x128xf32, #tpu.memory_space<hbm>>)
      tpu.yield
    }) : () -> ()
    return
  }
}

#map = affine_map<(d0, d1) -> (0, 0)>
#map1 = affine_map<(d0, d1) -> (0, 0, 0)>
module attributes {stable_mosaic.version = 14 : i64} {
  func.func @_sc_scatter(%arg0: i32, %arg1: i32, %arg2: memref<10000x128xf32, #tpu.memory_space<hbm>>, %arg3: memref<2560x128xi32, #tpu.memory_space<hbm>>, %arg4: memref<2560x128xi32, #tpu.memory_space<hbm>>, %arg5: memref<10112x128xf32, #tpu.memory_space<hbm>>, %arg6: memref<2x10112x128xf32, #tpu.memory_space<hbm>>, %arg7: memref<80x128xi32, #tpu.memory_space<vmem>>, %arg8: memref<80x128xi32, #tpu.memory_space<vmem>>, %arg9: memref<128x128xf32, #tpu.memory_space<vmem>>, %arg10: memref<10112x128xf32, #tpu.memory_space<vmem_shared>>, %arg11: memref<!tpu.dma_semaphore, #tpu.memory_space<semaphore_mem>>) attributes {dimension_semantics = [#tpu.dimension_semantics<core_parallel>, #tpu.dimension_semantics<subcore_parallel>], iteration_bounds = array<i64: 2, 16>, scalar_prefetch = 0 : i64, scratch_operands = 5 : i64, tpu.core_type = #tpu.core_type<sc_vector_subcore>, window_params = [{transform_indices = #map}, {transform_indices = #map}, {transform_indices = #map}, {transform_indices = #map}, {transform_indices = #map1}]} {
    %mul3A = arith.constant 2 : i32
    %mul3A_0 = arith.muli %arg1, %mul3A : i32
    %add3A = arith.addi %mul3A_0, %arg0 : i32
    %mul3A_1 = arith.constant 632 : i32
    %mul3A_2 = arith.muli %arg1, %mul3A_1 : i32
    %mul3A_3 = arith.constant 632 : i32
    %mul3A_4 = arith.muli %arg1, %mul3A_3 : i32
    "tpu.region"() ({
      %run_scoped3A = tpu.sem_alloc : memref<!tpu.dma_semaphore, #tpu.memory_space<semaphore_mem>>
      %dma_start3A = arith.constant 0 : i32
      %dma_start3A_19 = tpu.memref_slice %arg10[%mul3A_4, %dma_start3A] : memref<10112x128xf32, #tpu.memory_space<vmem_shared>> -> memref<632x128xf32, #tpu.memory_space<vmem_shared>>
      %dma_start3A_20 = arith.constant 0 : i32
      %dma_start3A_21 = tpu.memref_slice %arg5[%mul3A_2, %dma_start3A_20] : memref<10112x128xf32, #tpu.memory_space<hbm>> -> memref<632x128xf32, #tpu.memory_space<hbm>>
      tpu.enqueue_dma source(%dma_start3A_21 : memref<632x128xf32, #tpu.memory_space<hbm>>) target(%dma_start3A_19 : memref<632x128xf32, #tpu.memory_space<vmem_shared>>) target_semaphore(%run_scoped3A : memref<!tpu.dma_semaphore, #tpu.memory_space<semaphore_mem>>)
      %dma_wait3A = arith.constant 0 : i32
      %dma_wait3A_22 = tpu.memref_slice %arg10[%mul3A_4, %dma_wait3A] : memref<10112x128xf32, #tpu.memory_space<vmem_shared>> -> memref<632x128xf32, #tpu.memory_space<vmem_shared>>
      %dma_wait3A_23 = arith.constant 0 : i32
      %dma_wait3A_24 = tpu.memref_slice %arg5[%mul3A_2, %dma_wait3A_23] : memref<10112x128xf32, #tpu.memory_space<hbm>> -> memref<632x128xf32, #tpu.memory_space<hbm>>
      tpu.wait_dma2 semaphore(%run_scoped3A : memref<!tpu.dma_semaphore, #tpu.memory_space<semaphore_mem>>) src(%dma_wait3A_24 : memref<632x128xf32, #tpu.memory_space<hbm>>) dst(%dma_wait3A_22 : memref<632x128xf32, #tpu.memory_space<vmem_shared>>)
      tpu.yield
    }) : () -> ()
    %mul3A_5 = arith.constant 80 : i32
    %mul3A_6 = arith.muli %add3A, %mul3A_5 : i32
    "tpu.region"() ({
      %run_scoped3A = tpu.sem_alloc : memref<!tpu.dma_semaphore, #tpu.memory_space<semaphore_mem>>
      %dma_start3A = arith.constant 0 : i32
      %dma_start3A_19 = tpu.memref_slice %arg3[%mul3A_6, %dma_start3A] : memref<2560x128xi32, #tpu.memory_space<hbm>> -> memref<80x128xi32, #tpu.memory_space<hbm>>
      %dma_start3A_20 = arith.constant 0 : i32
      %dma_start3A_21 = tpu.memref_slice %arg3[%mul3A_6, %dma_start3A_20] : memref<2560x128xi32, #tpu.memory_space<hbm>> -> memref<80x128xi32, #tpu.memory_space<hbm>>
      tpu.enqueue_dma source(%dma_start3A_21 : memref<80x128xi32, #tpu.memory_space<hbm>>) target(%arg7 : memref<80x128xi32, #tpu.memory_space<vmem>>) target_semaphore(%run_scoped3A : memref<!tpu.dma_semaphore, #tpu.memory_space<semaphore_mem>>)
      %dma_wait3A = arith.constant 0 : i32
      %dma_wait3A_22 = tpu.memref_slice %arg3[%mul3A_6, %dma_wait3A] : memref<2560x128xi32, #tpu.memory_space<hbm>> -> memref<80x128xi32, #tpu.memory_space<hbm>>
      %dma_wait3A_23 = arith.constant 0 : i32
      %dma_wait3A_24 = tpu.memref_slice %arg3[%mul3A_6, %dma_wait3A_23] : memref<2560x128xi32, #tpu.memory_space<hbm>> -> memref<80x128xi32, #tpu.memory_space<hbm>>
      tpu.wait_dma2 semaphore(%run_scoped3A : memref<!tpu.dma_semaphore, #tpu.memory_space<semaphore_mem>>) src(%dma_wait3A_24 : memref<80x128xi32, #tpu.memory_space<hbm>>) dst(%arg7 : memref<80x128xi32, #tpu.memory_space<vmem>>)
      tpu.yield
    }) : () -> ()
    %mul3A_7 = arith.constant 80 : i32
    %mul3A_8 = arith.muli %add3A, %mul3A_7 : i32
    "tpu.region"() ({
      %run_scoped3A = tpu.sem_alloc : memref<!tpu.dma_semaphore, #tpu.memory_space<semaphore_mem>>
      %dma_start3A = arith.constant 0 : i32
      %dma_start3A_19 = tpu.memref_slice %arg4[%mul3A_8, %dma_start3A] : memref<2560x128xi32, #tpu.memory_space<hbm>> -> memref<80x128xi32, #tpu.memory_space<hbm>>
      %dma_start3A_20 = arith.constant 0 : i32
      %dma_start3A_21 = tpu.memref_slice %arg4[%mul3A_8, %dma_start3A_20] : memref<2560x128xi32, #tpu.memory_space<hbm>> -> memref<80x128xi32, #tpu.memory_space<hbm>>
      tpu.enqueue_dma source(%dma_start3A_21 : memref<80x128xi32, #tpu.memory_space<hbm>>) target(%arg8 : memref<80x128xi32, #tpu.memory_space<vmem>>) target_semaphore(%run_scoped3A : memref<!tpu.dma_semaphore, #tpu.memory_space<semaphore_mem>>)
      %dma_wait3A = arith.constant 0 : i32
      %dma_wait3A_22 = tpu.memref_slice %arg4[%mul3A_8, %dma_wait3A] : memref<2560x128xi32, #tpu.memory_space<hbm>> -> memref<80x128xi32, #tpu.memory_space<hbm>>
      %dma_wait3A_23 = arith.constant 0 : i32
      %dma_wait3A_24 = tpu.memref_slice %arg4[%mul3A_8, %dma_wait3A_23] : memref<2560x128xi32, #tpu.memory_space<hbm>> -> memref<80x128xi32, #tpu.memory_space<hbm>>
      tpu.wait_dma2 semaphore(%run_scoped3A : memref<!tpu.dma_semaphore, #tpu.memory_space<semaphore_mem>>) src(%dma_wait3A_24 : memref<80x128xi32, #tpu.memory_space<hbm>>) dst(%arg8 : memref<80x128xi32, #tpu.memory_space<vmem>>)
      tpu.yield
    }) : () -> ()
    %barrier3A = arith.constant 0 : index
    tpu.barrier barrier_id(%barrier3A)
    %scan3A = arith.constant 0 : i32
    %scan3A_9 = arith.constant 0 : i32
    %scan3A_10 = arith.constant 80 : i32
    %scan3A_11 = arith.addi %scan3A_9, %scan3A_10 : i32
    %scan3A_12 = arith.constant 1 : i32
    scf.for %scan3A_19 = %scan3A_9 to %scan3A_11 step %scan3A_12  : i32 {
      %dma_start3A = arith.constant 0 : i32
      %dma_start3A_20 = tpu.memref_slice %arg7[%scan3A_19, %dma_start3A] : memref<80x128xi32, #tpu.memory_space<vmem>> -> memref<1x128xi32, #tpu.memory_space<vmem>>
      %dma_start3A_21 = tpu.memref_squeeze %dma_start3A_20 : memref<1x128xi32, #tpu.memory_space<vmem>> -> memref<128xi32, #tpu.memory_space<vmem>>
      %dma_start3A_22 = arith.constant 0 : i32
      %dma_start3A_23 = arith.constant 0 : i32
      %dma_start3A_24 = tpu.memref_slice %arg2[%dma_start3A_22, %dma_start3A_23] : memref<10000x128xf32, #tpu.memory_space<hbm>> -> memref<10000x128xf32, #tpu.memory_space<hbm>>
      tpu.enqueue_indirect_dma source(%dma_start3A_24 : memref<10000x128xf32, #tpu.memory_space<hbm>>) target(%arg9 : memref<128x128xf32, #tpu.memory_space<vmem>>) offsets(%dma_start3A_21 : memref<128xi32, #tpu.memory_space<vmem>>) semaphore(%arg11 : memref<!tpu.dma_semaphore, #tpu.memory_space<semaphore_mem>>)
      %dma_wait3A = arith.constant 0 : i32
      %dma_wait3A_25 = tpu.memref_slice %arg7[%scan3A_19, %dma_wait3A] : memref<80x128xi32, #tpu.memory_space<vmem>> -> memref<1x128xi32, #tpu.memory_space<vmem>>
      %dma_wait3A_26 = tpu.memref_squeeze %dma_wait3A_25 : memref<1x128xi32, #tpu.memory_space<vmem>> -> memref<128xi32, #tpu.memory_space<vmem>>
      %dma_wait3A_27 = arith.constant 0 : i32
      %dma_wait3A_28 = arith.constant 0 : i32
      %dma_wait3A_29 = tpu.memref_slice %arg2[%dma_wait3A_27, %dma_wait3A_28] : memref<10000x128xf32, #tpu.memory_space<hbm>> -> memref<10000x128xf32, #tpu.memory_space<hbm>>
      tpu.wait_indirect_dma semaphore(%arg11 : memref<!tpu.dma_semaphore, #tpu.memory_space<semaphore_mem>>) src(%dma_wait3A_29 : memref<10000x128xf32, #tpu.memory_space<hbm>>) dst(%arg9 : memref<128x128xf32, #tpu.memory_space<vmem>>)
      "tpu.region"() ({
        %run_scoped3A = tpu.sem_alloc : memref<!tpu.dma_semaphore, #tpu.memory_space<semaphore_mem>>
        %dma_start3A_30 = arith.constant 0 : i32
        %dma_start3A_31 = tpu.memref_slice %arg8[%scan3A_19, %dma_start3A_30] : memref<80x128xi32, #tpu.memory_space<vmem>> -> memref<1x128xi32, #tpu.memory_space<vmem>>
        %dma_start3A_32 = tpu.memref_squeeze %dma_start3A_31 : memref<1x128xi32, #tpu.memory_space<vmem>> -> memref<128xi32, #tpu.memory_space<vmem>>
        %dma_start3A_33 = arith.constant 0 : i32
        %dma_start3A_34 = arith.constant 0 : i32
        %dma_start3A_35 = tpu.memref_slice %arg10[%dma_start3A_33, %dma_start3A_34] : memref<10112x128xf32, #tpu.memory_space<vmem_shared>> -> memref<10112x128xf32, #tpu.memory_space<vmem_shared>>
        tpu.enqueue_indirect_dma source(%arg9 : memref<128x128xf32, #tpu.memory_space<vmem>>) target(%dma_start3A_35 : memref<10112x128xf32, #tpu.memory_space<vmem_shared>>) offsets(%dma_start3A_32 : memref<128xi32, #tpu.memory_space<vmem>>) semaphore(%run_scoped3A : memref<!tpu.dma_semaphore, #tpu.memory_space<semaphore_mem>>) {add = true}
        %dma_wait3A_36 = arith.constant 0 : i32
        %dma_wait3A_37 = tpu.memref_slice %arg8[%scan3A_19, %dma_wait3A_36] : memref<80x128xi32, #tpu.memory_space<vmem>> -> memref<1x128xi32, #tpu.memory_space<vmem>>
        %dma_wait3A_38 = tpu.memref_squeeze %dma_wait3A_37 : memref<1x128xi32, #tpu.memory_space<vmem>> -> memref<128xi32, #tpu.memory_space<vmem>>
        %dma_wait3A_39 = arith.constant 0 : i32
        %dma_wait3A_40 = arith.constant 0 : i32
        %dma_wait3A_41 = tpu.memref_slice %arg10[%dma_wait3A_39, %dma_wait3A_40] : memref<10112x128xf32, #tpu.memory_space<vmem_shared>> -> memref<10112x128xf32, #tpu.memory_space<vmem_shared>>
        tpu.wait_indirect_dma semaphore(%run_scoped3A : memref<!tpu.dma_semaphore, #tpu.memory_space<semaphore_mem>>) src(%arg9 : memref<128x128xf32, #tpu.memory_space<vmem>>) dst(%dma_wait3A_41 : memref<10112x128xf32, #tpu.memory_space<vmem_shared>>)
        tpu.yield
      }) : () -> ()
    }
    %scan3A_13 = arith.constant 80 : i32
    %barrier3A_14 = arith.constant 0 : index
    tpu.barrier barrier_id(%barrier3A_14)
    %mul3A_15 = arith.constant 632 : i32
    %mul3A_16 = arith.muli %arg1, %mul3A_15 : i32
    %mul3A_17 = arith.constant 632 : i32
    %mul3A_18 = arith.muli %arg1, %mul3A_17 : i32
    "tpu.region"() ({
      %run_scoped3A = tpu.sem_alloc : memref<!tpu.dma_semaphore, #tpu.memory_space<semaphore_mem>>
      %dma_start3A = arith.constant 0 : i32
      %dma_start3A_19 = tpu.memref_slice %arg6[%arg0, %mul3A_18, %dma_start3A] : memref<2x10112x128xf32, #tpu.memory_space<hbm>> -> memref<1x632x128xf32, #tpu.memory_space<hbm>>
      %dma_start3A_20 = tpu.memref_squeeze %dma_start3A_19 : memref<1x632x128xf32, #tpu.memory_space<hbm>> -> memref<632x128xf32, #tpu.memory_space<hbm>>
      %dma_start3A_21 = arith.constant 0 : i32
      %dma_start3A_22 = tpu.memref_slice %arg10[%mul3A_16, %dma_start3A_21] : memref<10112x128xf32, #tpu.memory_space<vmem_shared>> -> memref<632x128xf32, #tpu.memory_space<vmem_shared>>
      tpu.enqueue_dma source(%dma_start3A_22 : memref<632x128xf32, #tpu.memory_space<vmem_shared>>) target(%dma_start3A_20 : memref<632x128xf32, #tpu.memory_space<hbm>>) target_semaphore(%run_scoped3A : memref<!tpu.dma_semaphore, #tpu.memory_space<semaphore_mem>>)
      %dma_wait3A = arith.constant 0 : i32
      %dma_wait3A_23 = tpu.memref_slice %arg6[%arg0, %mul3A_18, %dma_wait3A] : memref<2x10112x128xf32, #tpu.memory_space<hbm>> -> memref<1x632x128xf32, #tpu.memory_space<hbm>>
      %dma_wait3A_24 = tpu.memref_squeeze %dma_wait3A_23 : memref<1x632x128xf32, #tpu.memory_space<hbm>> -> memref<632x128xf32, #tpu.memory_space<hbm>>
      %dma_wait3A_25 = arith.constant 0 : i32
      %dma_wait3A_26 = tpu.memref_slice %arg10[%mul3A_16, %dma_wait3A_25] : memref<10112x128xf32, #tpu.memory_space<vmem_shared>> -> memref<632x128xf32, #tpu.memory_space<vmem_shared>>
      tpu.wait_dma2 semaphore(%run_scoped3A : memref<!tpu.dma_semaphore, #tpu.memory_space<semaphore_mem>>) src(%dma_wait3A_26 : memref<632x128xf32, #tpu.memory_space<vmem_shared>>) dst(%dma_wait3A_24 : memref<632x128xf32, #tpu.memory_space<hbm>>)
      tpu.yield
    }) : () -> ()
    return
  }
}

#map = affine_map<(d0, d1) -> (0, 0)>
#map1 = affine_map<(d0, d1) -> (0, 0, 0)>
module attributes {stable_mosaic.version = 14 : i64} {
  func.func @_sc_scatter(%arg0: i32, %arg1: i32, %arg2: memref<10000x128xf32, #tpu.memory_space<hbm>>, %arg3: memref<2560x128xi32, #tpu.memory_space<hbm>>, %arg4: memref<2560x128xi32, #tpu.memory_space<hbm>>, %arg5: memref<10112x128xf32, #tpu.memory_space<hbm>>, %arg6: memref<2x10112x128xf32, #tpu.memory_space<hbm>>, %arg7: memref<80x128xi32, #tpu.memory_space<vmem>>, %arg8: memref<80x128xi32, #tpu.memory_space<vmem>>, %arg9: memref<128x128xf32, #tpu.memory_space<vmem>>, %arg10: memref<10112x128xf32, #tpu.memory_space<vmem_shared>>, %arg11: memref<!tpu.dma_semaphore, #tpu.memory_space<semaphore_mem>>) attributes {dimension_semantics = [#tpu.dimension_semantics<core_parallel>, #tpu.dimension_semantics<subcore_parallel>], iteration_bounds = array<i64: 2, 16>, scalar_prefetch = 0 : i64, scratch_operands = 5 : i64, tpu.core_type = #tpu.core_type<sc_vector_subcore>, window_params = [{transform_indices = #map}, {transform_indices = #map}, {transform_indices = #map}, {transform_indices = #map}, {transform_indices = #map1}]} {
    %mul3A = arith.constant 2 : i32
    %mul3A_0 = arith.muli %arg1, %mul3A : i32
    %add3A = arith.addi %mul3A_0, %arg0 : i32
    %mul3A_1 = arith.constant 632 : i32
    %mul3A_2 = arith.muli %arg1, %mul3A_1 : i32
    %mul3A_3 = arith.constant 632 : i32
    %mul3A_4 = arith.muli %arg1, %mul3A_3 : i32
    "tpu.region"() ({
      %run_scoped3A = tpu.sem_alloc : memref<!tpu.dma_semaphore, #tpu.memory_space<semaphore_mem>>
      %dma_start3A = arith.constant 0 : i32
      %dma_start3A_19 = tpu.memref_slice %arg10[%mul3A_4, %dma_start3A] : memref<10112x128xf32, #tpu.memory_space<vmem_shared>> -> memref<632x128xf32, #tpu.memory_space<vmem_shared>>
      %dma_start3A_20 = arith.constant 0 : i32
      %dma_start3A_21 = tpu.memref_slice %arg5[%mul3A_2, %dma_start3A_20] : memref<10112x128xf32, #tpu.memory_space<hbm>> -> memref<632x128xf32, #tpu.memory_space<hbm>>
      tpu.enqueue_dma source(%dma_start3A_21 : memref<632x128xf32, #tpu.memory_space<hbm>>) target(%dma_start3A_19 : memref<632x128xf32, #tpu.memory_space<vmem_shared>>) target_semaphore(%run_scoped3A : memref<!tpu.dma_semaphore, #tpu.memory_space<semaphore_mem>>)
      %dma_wait3A = arith.constant 0 : i32
      %dma_wait3A_22 = tpu.memref_slice %arg10[%mul3A_4, %dma_wait3A] : memref<10112x128xf32, #tpu.memory_space<vmem_shared>> -> memref<632x128xf32, #tpu.memory_space<vmem_shared>>
      %dma_wait3A_23 = arith.constant 0 : i32
      %dma_wait3A_24 = tpu.memref_slice %arg5[%mul3A_2, %dma_wait3A_23] : memref<10112x128xf32, #tpu.memory_space<hbm>> -> memref<632x128xf32, #tpu.memory_space<hbm>>
      tpu.wait_dma2 semaphore(%run_scoped3A : memref<!tpu.dma_semaphore, #tpu.memory_space<semaphore_mem>>) src(%dma_wait3A_24 : memref<632x128xf32, #tpu.memory_space<hbm>>) dst(%dma_wait3A_22 : memref<632x128xf32, #tpu.memory_space<vmem_shared>>)
      tpu.yield
    }) : () -> ()
    %mul3A_5 = arith.constant 80 : i32
    %mul3A_6 = arith.muli %add3A, %mul3A_5 : i32
    "tpu.region"() ({
      %run_scoped3A = tpu.sem_alloc : memref<!tpu.dma_semaphore, #tpu.memory_space<semaphore_mem>>
      %dma_start3A = arith.constant 0 : i32
      %dma_start3A_19 = tpu.memref_slice %arg3[%mul3A_6, %dma_start3A] : memref<2560x128xi32, #tpu.memory_space<hbm>> -> memref<80x128xi32, #tpu.memory_space<hbm>>
      %dma_start3A_20 = arith.constant 0 : i32
      %dma_start3A_21 = tpu.memref_slice %arg3[%mul3A_6, %dma_start3A_20] : memref<2560x128xi32, #tpu.memory_space<hbm>> -> memref<80x128xi32, #tpu.memory_space<hbm>>
      tpu.enqueue_dma source(%dma_start3A_21 : memref<80x128xi32, #tpu.memory_space<hbm>>) target(%arg7 : memref<80x128xi32, #tpu.memory_space<vmem>>) target_semaphore(%run_scoped3A : memref<!tpu.dma_semaphore, #tpu.memory_space<semaphore_mem>>)
      %dma_wait3A = arith.constant 0 : i32
      %dma_wait3A_22 = tpu.memref_slice %arg3[%mul3A_6, %dma_wait3A] : memref<2560x128xi32, #tpu.memory_space<hbm>> -> memref<80x128xi32, #tpu.memory_space<hbm>>
      %dma_wait3A_23 = arith.constant 0 : i32
      %dma_wait3A_24 = tpu.memref_slice %arg3[%mul3A_6, %dma_wait3A_23] : memref<2560x128xi32, #tpu.memory_space<hbm>> -> memref<80x128xi32, #tpu.memory_space<hbm>>
      tpu.wait_dma2 semaphore(%run_scoped3A : memref<!tpu.dma_semaphore, #tpu.memory_space<semaphore_mem>>) src(%dma_wait3A_24 : memref<80x128xi32, #tpu.memory_space<hbm>>) dst(%arg7 : memref<80x128xi32, #tpu.memory_space<vmem>>)
      tpu.yield
    }) : () -> ()
    %mul3A_7 = arith.constant 80 : i32
    %mul3A_8 = arith.muli %add3A, %mul3A_7 : i32
    "tpu.region"() ({
      %run_scoped3A = tpu.sem_alloc : memref<!tpu.dma_semaphore, #tpu.memory_space<semaphore_mem>>
      %dma_start3A = arith.constant 0 : i32
      %dma_start3A_19 = tpu.memref_slice %arg4[%mul3A_8, %dma_start3A] : memref<2560x128xi32, #tpu.memory_space<hbm>> -> memref<80x128xi32, #tpu.memory_space<hbm>>
      %dma_start3A_20 = arith.constant 0 : i32
      %dma_start3A_21 = tpu.memref_slice %arg4[%mul3A_8, %dma_start3A_20] : memref<2560x128xi32, #tpu.memory_space<hbm>> -> memref<80x128xi32, #tpu.memory_space<hbm>>
      tpu.enqueue_dma source(%dma_start3A_21 : memref<80x128xi32, #tpu.memory_space<hbm>>) target(%arg8 : memref<80x128xi32, #tpu.memory_space<vmem>>) target_semaphore(%run_scoped3A : memref<!tpu.dma_semaphore, #tpu.memory_space<semaphore_mem>>)
      %dma_wait3A = arith.constant 0 : i32
      %dma_wait3A_22 = tpu.memref_slice %arg4[%mul3A_8, %dma_wait3A] : memref<2560x128xi32, #tpu.memory_space<hbm>> -> memref<80x128xi32, #tpu.memory_space<hbm>>
      %dma_wait3A_23 = arith.constant 0 : i32
      %dma_wait3A_24 = tpu.memref_slice %arg4[%mul3A_8, %dma_wait3A_23] : memref<2560x128xi32, #tpu.memory_space<hbm>> -> memref<80x128xi32, #tpu.memory_space<hbm>>
      tpu.wait_dma2 semaphore(%run_scoped3A : memref<!tpu.dma_semaphore, #tpu.memory_space<semaphore_mem>>) src(%dma_wait3A_24 : memref<80x128xi32, #tpu.memory_space<hbm>>) dst(%arg8 : memref<80x128xi32, #tpu.memory_space<vmem>>)
      tpu.yield
    }) : () -> ()
    %barrier3A = arith.constant 0 : index
    tpu.barrier barrier_id(%barrier3A)
    %scan3A = arith.constant 0 : i32
    %scan3A_9 = arith.constant 0 : i32
    %scan3A_10 = arith.constant 80 : i32
    %scan3A_11 = arith.addi %scan3A_9, %scan3A_10 : i32
    %scan3A_12 = arith.constant 1 : i32
    scf.for %scan3A_19 = %scan3A_9 to %scan3A_11 step %scan3A_12  : i32 {
      %dma_start3A = arith.constant 0 : i32
      %dma_start3A_20 = tpu.memref_slice %arg7[%scan3A_19, %dma_start3A] : memref<80x128xi32, #tpu.memory_space<vmem>> -> memref<1x128xi32, #tpu.memory_space<vmem>>
      %dma_start3A_21 = tpu.memref_squeeze %dma_start3A_20 : memref<1x128xi32, #tpu.memory_space<vmem>> -> memref<128xi32, #tpu.memory_space<vmem>>
      %dma_start3A_22 = arith.constant 0 : i32
      %dma_start3A_23 = arith.constant 0 : i32
      %dma_start3A_24 = tpu.memref_slice %arg2[%dma_start3A_22, %dma_start3A_23] : memref<10000x128xf32, #tpu.memory_space<hbm>> -> memref<10000x128xf32, #tpu.memory_space<hbm>>
      tpu.enqueue_indirect_dma source(%dma_start3A_24 : memref<10000x128xf32, #tpu.memory_space<hbm>>) target(%arg9 : memref<128x128xf32, #tpu.memory_space<vmem>>) offsets(%dma_start3A_21 : memref<128xi32, #tpu.memory_space<vmem>>) semaphore(%arg11 : memref<!tpu.dma_semaphore, #tpu.memory_space<semaphore_mem>>)
      %dma_wait3A = arith.constant 0 : i32
      %dma_wait3A_25 = tpu.memref_slice %arg7[%scan3A_19, %dma_wait3A] : memref<80x128xi32, #tpu.memory_space<vmem>> -> memref<1x128xi32, #tpu.memory_space<vmem>>
      %dma_wait3A_26 = tpu.memref_squeeze %dma_wait3A_25 : memref<1x128xi32, #tpu.memory_space<vmem>> -> memref<128xi32, #tpu.memory_space<vmem>>
      %dma_wait3A_27 = arith.constant 0 : i32
      %dma_wait3A_28 = arith.constant 0 : i32
      %dma_wait3A_29 = tpu.memref_slice %arg2[%dma_wait3A_27, %dma_wait3A_28] : memref<10000x128xf32, #tpu.memory_space<hbm>> -> memref<10000x128xf32, #tpu.memory_space<hbm>>
      tpu.wait_indirect_dma semaphore(%arg11 : memref<!tpu.dma_semaphore, #tpu.memory_space<semaphore_mem>>) src(%dma_wait3A_29 : memref<10000x128xf32, #tpu.memory_space<hbm>>) dst(%arg9 : memref<128x128xf32, #tpu.memory_space<vmem>>)
      "tpu.region"() ({
        %run_scoped3A = tpu.sem_alloc : memref<!tpu.dma_semaphore, #tpu.memory_space<semaphore_mem>>
        %dma_start3A_30 = arith.constant 0 : i32
        %dma_start3A_31 = tpu.memref_slice %arg8[%scan3A_19, %dma_start3A_30] : memref<80x128xi32, #tpu.memory_space<vmem>> -> memref<1x128xi32, #tpu.memory_space<vmem>>
        %dma_start3A_32 = tpu.memref_squeeze %dma_start3A_31 : memref<1x128xi32, #tpu.memory_space<vmem>> -> memref<128xi32, #tpu.memory_space<vmem>>
        %dma_start3A_33 = arith.constant 0 : i32
        %dma_start3A_34 = arith.constant 0 : i32
        %dma_start3A_35 = tpu.memref_slice %arg10[%dma_start3A_33, %dma_start3A_34] : memref<10112x128xf32, #tpu.memory_space<vmem_shared>> -> memref<10112x128xf32, #tpu.memory_space<vmem_shared>>
        tpu.enqueue_indirect_dma source(%arg9 : memref<128x128xf32, #tpu.memory_space<vmem>>) target(%dma_start3A_35 : memref<10112x128xf32, #tpu.memory_space<vmem_shared>>) offsets(%dma_start3A_32 : memref<128xi32, #tpu.memory_space<vmem>>) semaphore(%run_scoped3A : memref<!tpu.dma_semaphore, #tpu.memory_space<semaphore_mem>>) {add = true}
        %dma_wait3A_36 = arith.constant 0 : i32
        %dma_wait3A_37 = tpu.memref_slice %arg8[%scan3A_19, %dma_wait3A_36] : memref<80x128xi32, #tpu.memory_space<vmem>> -> memref<1x128xi32, #tpu.memory_space<vmem>>
        %dma_wait3A_38 = tpu.memref_squeeze %dma_wait3A_37 : memref<1x128xi32, #tpu.memory_space<vmem>> -> memref<128xi32, #tpu.memory_space<vmem>>
        %dma_wait3A_39 = arith.constant 0 : i32
        %dma_wait3A_40 = arith.constant 0 : i32
        %dma_wait3A_41 = tpu.memref_slice %arg10[%dma_wait3A_39, %dma_wait3A_40] : memref<10112x128xf32, #tpu.memory_space<vmem_shared>> -> memref<10112x128xf32, #tpu.memory_space<vmem_shared>>
        tpu.wait_indirect_dma semaphore(%run_scoped3A : memref<!tpu.dma_semaphore, #tpu.memory_space<semaphore_mem>>) src(%arg9 : memref<128x128xf32, #tpu.memory_space<vmem>>) dst(%dma_wait3A_41 : memref<10112x128xf32, #tpu.memory_space<vmem_shared>>)
        tpu.yield
      }) : () -> ()
    }
    %scan3A_13 = arith.constant 80 : i32
    %barrier3A_14 = arith.constant 0 : index
    tpu.barrier barrier_id(%barrier3A_14)
    %mul3A_15 = arith.constant 632 : i32
    %mul3A_16 = arith.muli %arg1, %mul3A_15 : i32
    %mul3A_17 = arith.constant 632 : i32
    %mul3A_18 = arith.muli %arg1, %mul3A_17 : i32
    "tpu.region"() ({
      %run_scoped3A = tpu.sem_alloc : memref<!tpu.dma_semaphore, #tpu.memory_space<semaphore_mem>>
      %dma_start3A = arith.constant 0 : i32
      %dma_start3A_19 = tpu.memref_slice %arg6[%arg0, %mul3A_18, %dma_start3A] : memref<2x10112x128xf32, #tpu.memory_space<hbm>> -> memref<1x632x128xf32, #tpu.memory_space<hbm>>
      %dma_start3A_20 = tpu.memref_squeeze %dma_start3A_19 : memref<1x632x128xf32, #tpu.memory_space<hbm>> -> memref<632x128xf32, #tpu.memory_space<hbm>>
      %dma_start3A_21 = arith.constant 0 : i32
      %dma_start3A_22 = tpu.memref_slice %arg10[%mul3A_16, %dma_start3A_21] : memref<10112x128xf32, #tpu.memory_space<vmem_shared>> -> memref<632x128xf32, #tpu.memory_space<vmem_shared>>
      tpu.enqueue_dma source(%dma_start3A_22 : memref<632x128xf32, #tpu.memory_space<vmem_shared>>) target(%dma_start3A_20 : memref<632x128xf32, #tpu.memory_space<hbm>>) target_semaphore(%run_scoped3A : memref<!tpu.dma_semaphore, #tpu.memory_space<semaphore_mem>>)
      %dma_wait3A = arith.constant 0 : i32
      %dma_wait3A_23 = tpu.memref_slice %arg6[%arg0, %mul3A_18, %dma_wait3A] : memref<2x10112x128xf32, #tpu.memory_space<hbm>> -> memref<1x632x128xf32, #tpu.memory_space<hbm>>
      %dma_wait3A_24 = tpu.memref_squeeze %dma_wait3A_23 : memref<1x632x128xf32, #tpu.memory_space<hbm>> -> memref<632x128xf32, #tpu.memory_space<hbm>>
      %dma_wait3A_25 = arith.constant 0 : i32
      %dma_wait3A_26 = tpu.memref_slice %arg10[%mul3A_16, %dma_wait3A_25] : memref<10112x128xf32, #tpu.memory_space<vmem_shared>> -> memref<632x128xf32, #tpu.memory_space<vmem_shared>>
      tpu.wait_dma2 semaphore(%run_scoped3A : memref<!tpu.dma_semaphore, #tpu.memory_space<semaphore_mem>>) src(%dma_wait3A_26 : memref<632x128xf32, #tpu.memory_space<vmem_shared>>) dst(%dma_wait3A_24 : memref<632x128xf32, #tpu.memory_space<hbm>>)
      tpu.yield
    }) : () -> ()
    return
  }
}

module attributes {stable_mosaic.version = 14 : i64} {
  func.func @_tc_mid_body(%arg0: memref<2x10112x128xf32, #tpu.memory_space<vmem>>, %arg1: memref<10000x128xf32, #tpu.memory_space<vmem>>, %arg2: memref<2x10112x128xf32, #tpu.memory_space<vmem>>, %arg3: memref<128xf32, #tpu.memory_space<vmem>>, %arg4: memref<128xf32, #tpu.memory_space<vmem>>, %arg5: memref<128xf32, #tpu.memory_space<vmem>>, %arg6: memref<128x128xf32, #tpu.memory_space<vmem>>, %arg7: memref<10000x128xf32, #tpu.memory_space<vmem>>, %arg8: memref<10000x128xf32, #tpu.memory_space<vmem>>) attributes {dimension_semantics = [], scalar_prefetch = 0 : i64, scratch_operands = 0 : i64, tpu.core_type = #tpu.core_type<tc>} {
    %get3A = arith.constant 0 : index
    %get3A_0 = arith.constant 0 : index
    %get3A_1 = arith.constant 0 : index
    %get3A_2 = vector.load %arg0[%get3A, %get3A_0, %get3A_1] : memref<2x10112x128xf32, #tpu.memory_space<vmem>>, vector<1x10000x1xf32>
    %get3A_3 = vector.shape_cast %get3A_2 : vector<1x10000x1xf32> to vector<10000x1xf32>
    %get3A_4 = arith.constant 1 : index
    %get3A_5 = arith.constant 0 : index
    %get3A_6 = arith.constant 0 : index
    %get3A_7 = vector.load %arg0[%get3A_4, %get3A_5, %get3A_6] : memref<2x10112x128xf32, #tpu.memory_space<vmem>>, vector<1x10000x1xf32>
    %get3A_8 = vector.shape_cast %get3A_7 : vector<1x10000x1xf32> to vector<10000x1xf32>
    %add3A = arith.addf %get3A_3, %get3A_8 : vector<10000x1xf32>
    %add3A_9 = arith.constant 1.000000e+00 : f32
    %add3A_10 = vector.broadcast %add3A_9 : f32 to vector<10000x1xf32>
    %add3A_11 = arith.addf %add3A, %add3A_10 : vector<10000x1xf32>
    %rsqrt3A = math.rsqrt %add3A_11 : vector<10000x1xf32>
    %get3A_12 = arith.constant 0 : index
    %get3A_13 = arith.constant 0 : index
    %get3A_14 = arith.constant 0 : index
    %get3A_15 = vector.load %arg2[%get3A_12, %get3A_13, %get3A_14] : memref<2x10112x128xf32, #tpu.memory_space<vmem>>, vector<1x10000x128xf32>
    %get3A_16 = vector.shape_cast %get3A_15 : vector<1x10000x128xf32> to vector<10000x128xf32>
    %get3A_17 = arith.constant 1 : index
    %get3A_18 = arith.constant 0 : index
    %get3A_19 = arith.constant 0 : index
    %get3A_20 = vector.load %arg2[%get3A_17, %get3A_18, %get3A_19] : memref<2x10112x128xf32, #tpu.memory_space<vmem>>, vector<1x10000x128xf32>
    %get3A_21 = vector.shape_cast %get3A_20 : vector<1x10000x128xf32> to vector<10000x128xf32>
    %add3A_22 = arith.addf %get3A_16, %get3A_21 : vector<10000x128xf32>
    %mul3A = vector.broadcast %rsqrt3A : vector<10000x1xf32> to vector<10000x128xf32>
    %mul3A_23 = arith.mulf %mul3A, %add3A_22 : vector<10000x128xf32>
    %mul3A_24 = arith.mulf %rsqrt3A, %rsqrt3A : vector<10000x1xf32>
    %get3A_25 = arith.constant 0 : index
    %get3A_26 = arith.constant 0 : index
    %get3A_27 = vector.load %arg1[%get3A_25, %get3A_26] : memref<10000x128xf32, #tpu.memory_space<vmem>>, vector<10000x128xf32>
    %mul3A_28 = vector.broadcast %mul3A_24 : vector<10000x1xf32> to vector<10000x128xf32>
    %mul3A_29 = arith.mulf %mul3A_28, %get3A_27 : vector<10000x128xf32>
    %add3A_30 = arith.addf %mul3A_23, %mul3A_29 : vector<10000x128xf32>
    %get3A_31 = arith.constant 0 : index
    %get3A_32 = vector.load %arg3[%get3A_31] : memref<128xf32, #tpu.memory_space<vmem>>, vector<128xf32>
    %broadcast_in_dim3A = vector.shape_cast %get3A_32 : vector<128xf32> to vector<1x128xf32>
    %add3A_33 = vector.broadcast %broadcast_in_dim3A : vector<1x128xf32> to vector<10000x128xf32>
    %add3A_34 = arith.addf %add3A_30, %add3A_33 : vector<10000x128xf32>
    %get3A_35 = arith.constant 0 : index
    %get3A_36 = vector.load %arg4[%get3A_35] : memref<128xf32, #tpu.memory_space<vmem>>, vector<128xf32>
    %get3A_37 = arith.constant 0 : index
    %get3A_38 = vector.load %arg5[%get3A_37] : memref<128xf32, #tpu.memory_space<vmem>>, vector<128xf32>
    %reduce_sum3A = arith.constant dense<0.000000e+00> : vector<128xf32>
    %reduce_sum3A_39 = vector.multi_reduction <add>, %add3A_34, %reduce_sum3A [0] : vector<10000x128xf32> to vector<128xf32>
    %broadcast_in_dim3A_40 = vector.shape_cast %reduce_sum3A_39 : vector<128xf32> to vector<1x128xf32>
    %div3A = arith.constant 1.000000e+04 : f32
    %div3A_41 = vector.broadcast %div3A : f32 to vector<1x128xf32>
    %div3A_42 = arith.divf %broadcast_in_dim3A_40, %div3A_41 : vector<1x128xf32>
    %sub3A = vector.broadcast %div3A_42 : vector<1x128xf32> to vector<10000x128xf32>
    %sub3A_43 = arith.subf %add3A_34, %sub3A : vector<10000x128xf32>
    %sub3A_44 = vector.broadcast %div3A_42 : vector<1x128xf32> to vector<10000x128xf32>
    %sub3A_45 = arith.subf %add3A_34, %sub3A_44 : vector<10000x128xf32>
    %mul3A_46 = arith.mulf %sub3A_43, %sub3A_45 : vector<10000x128xf32>
    %reduce_sum3A_47 = arith.constant dense<0.000000e+00> : vector<128xf32>
    %reduce_sum3A_48 = vector.multi_reduction <add>, %mul3A_46, %reduce_sum3A_47 [0] : vector<10000x128xf32> to vector<128xf32>
    %broadcast_in_dim3A_49 = vector.shape_cast %reduce_sum3A_48 : vector<128xf32> to vector<1x128xf32>
    %div3A_50 = arith.constant 1.000000e+04 : f32
    %div3A_51 = vector.broadcast %div3A_50 : f32 to vector<1x128xf32>
    %div3A_52 = arith.divf %broadcast_in_dim3A_49, %div3A_51 : vector<1x128xf32>
    %sub3A_53 = vector.broadcast %div3A_42 : vector<1x128xf32> to vector<10000x128xf32>
    %sub3A_54 = arith.subf %add3A_34, %sub3A_53 : vector<10000x128xf32>
    %broadcast_in_dim3A_55 = vector.shape_cast %get3A_36 : vector<128xf32> to vector<1x128xf32>
    %mul3A_56 = vector.broadcast %broadcast_in_dim3A_55 : vector<1x128xf32> to vector<10000x128xf32>
    %mul3A_57 = arith.mulf %mul3A_56, %sub3A_54 : vector<10000x128xf32>
    %add3A_58 = arith.constant 9.99999974E-6 : f32
    %add3A_59 = vector.broadcast %add3A_58 : f32 to vector<1x128xf32>
    %add3A_60 = arith.addf %div3A_52, %add3A_59 : vector<1x128xf32>
    %rsqrt3A_61 = math.rsqrt %add3A_60 : vector<1x128xf32>
    %mul3A_62 = vector.broadcast %rsqrt3A_61 : vector<1x128xf32> to vector<10000x128xf32>
    %mul3A_63 = arith.mulf %mul3A_57, %mul3A_62 : vector<10000x128xf32>
    %broadcast_in_dim3A_64 = vector.shape_cast %get3A_38 : vector<128xf32> to vector<1x128xf32>
    %add3A_65 = vector.broadcast %broadcast_in_dim3A_64 : vector<1x128xf32> to vector<10000x128xf32>
    %add3A_66 = arith.addf %mul3A_63, %add3A_65 : vector<10000x128xf32>
    %gt3A = arith.constant 0.000000e+00 : f32
    %gt3A_67 = vector.broadcast %gt3A : f32 to vector<10000x128xf32>
    %gt3A_68 = arith.cmpf ogt, %add3A_66, %gt3A_67 : vector<10000x128xf32>
    %mul3A_69 = arith.constant 0.00999999977 : f32
    %mul3A_70 = vector.broadcast %mul3A_69 : f32 to vector<10000x128xf32>
    %mul3A_71 = arith.mulf %mul3A_70, %add3A_66 : vector<10000x128xf32>
    %select_n3A = arith.select %gt3A_68, %add3A_66, %mul3A_71 : vector<10000x128xi1>, vector<10000x128xf32>
    %get3A_72 = arith.constant 0 : index
    %get3A_73 = arith.constant 0 : index
    %get3A_74 = vector.load %arg6[%get3A_72, %get3A_73] : memref<128x128xf32, #tpu.memory_space<vmem>>, vector<128x128xf32>
    %dot_general3A = arith.constant dense<0.000000e+00> : vector<10000x128xf32>
    %dot_general3A_75 = tpu.matmul %select_n3A, %get3A_74, %dot_general3A {dimension_numbers = #tpu.dot_dimension_numbers<[1], [0], [0], [1], [0, 0, 1, 1], [], []>, transpose_lhs_hint = false} : vector<10000x128xf32>, vector<128x128xf32>, vector<10000x128xf32> -> vector<10000x128xf32>
    %swap3A = arith.constant 0 : index
    %swap3A_76 = arith.constant 0 : index
    %swap3A_77 = vector.load %arg7[%swap3A, %swap3A_76] : memref<10000x128xf32, #tpu.memory_space<vmem>>, vector<10000x128xf32>
    tpu.vector_store %arg7[%swap3A, %swap3A_76], %dot_general3A_75 {strides = array<i32>} : memref<10000x128xf32, #tpu.memory_space<vmem>>, vector<10000x128xf32>,
    %mul3A_78 = vector.broadcast %rsqrt3A : vector<10000x1xf32> to vector<10000x128xf32>
    %mul3A_79 = arith.mulf %dot_general3A_75, %mul3A_78 : vector<10000x128xf32>
    %swap3A_80 = arith.constant 0 : index
    %swap3A_81 = arith.constant 0 : index
    %swap3A_82 = vector.load %arg8[%swap3A_80, %swap3A_81] : memref<10000x128xf32, #tpu.memory_space<vmem>>, vector<10000x128xf32>
    tpu.vector_store %arg8[%swap3A_80, %swap3A_81], %mul3A_79 {strides = array<i32>} : memref<10000x128xf32, #tpu.memory_space<vmem>>, vector<10000x128xf32>,
    return
  }
}

module attributes {stable_mosaic.version = 14 : i64} {
  func.func @_tc_pre_body(%arg0: memref<2x10112x128xf32, #tpu.memory_space<vmem>>, %arg1: memref<10000x128xf32, #tpu.memory_space<vmem>>, %arg2: memref<128x128xf32, #tpu.memory_space<vmem>>, %arg3: memref<10000x128xf32, #tpu.memory_space<vmem>>, %arg4: memref<10000x128xf32, #tpu.memory_space<vmem>>) attributes {dimension_semantics = [], scalar_prefetch = 0 : i64, scratch_operands = 0 : i64, tpu.core_type = #tpu.core_type<tc>} {
    %get3A = arith.constant 0 : index
    %get3A_0 = arith.constant 0 : index
    %get3A_1 = arith.constant 0 : index
    %get3A_2 = vector.load %arg0[%get3A, %get3A_0, %get3A_1] : memref<2x10112x128xf32, #tpu.memory_space<vmem>>, vector<1x10000x1xf32>
    %get3A_3 = vector.shape_cast %get3A_2 : vector<1x10000x1xf32> to vector<10000x1xf32>
    %get3A_4 = arith.constant 1 : index
    %get3A_5 = arith.constant 0 : index
    %get3A_6 = arith.constant 0 : index
    %get3A_7 = vector.load %arg0[%get3A_4, %get3A_5, %get3A_6] : memref<2x10112x128xf32, #tpu.memory_space<vmem>>, vector<1x10000x1xf32>
    %get3A_8 = vector.shape_cast %get3A_7 : vector<1x10000x1xf32> to vector<10000x1xf32>
    %add3A = arith.addf %get3A_3, %get3A_8 : vector<10000x1xf32>
    %add3A_9 = arith.constant 1.000000e+00 : f32
    %add3A_10 = vector.broadcast %add3A_9 : f32 to vector<10000x1xf32>
    %add3A_11 = arith.addf %add3A, %add3A_10 : vector<10000x1xf32>
    %rsqrt3A = math.rsqrt %add3A_11 : vector<10000x1xf32>
    %get3A_12 = arith.constant 0 : index
    %get3A_13 = arith.constant 0 : index
    %get3A_14 = vector.load %arg1[%get3A_12, %get3A_13] : memref<10000x128xf32, #tpu.memory_space<vmem>>, vector<10000x128xf32>
    %get3A_15 = arith.constant 0 : index
    %get3A_16 = arith.constant 0 : index
    %get3A_17 = vector.load %arg2[%get3A_15, %get3A_16] : memref<128x128xf32, #tpu.memory_space<vmem>>, vector<128x128xf32>
    %dot_general3A = arith.constant dense<0.000000e+00> : vector<10000x128xf32>
    %dot_general3A_18 = tpu.matmul %get3A_14, %get3A_17, %dot_general3A {dimension_numbers = #tpu.dot_dimension_numbers<[1], [0], [0], [1], [0, 0, 1, 1], [], []>, transpose_lhs_hint = false} : vector<10000x128xf32>, vector<128x128xf32>, vector<10000x128xf32> -> vector<10000x128xf32>
    %swap3A = arith.constant 0 : index
    %swap3A_19 = arith.constant 0 : index
    %swap3A_20 = vector.load %arg3[%swap3A, %swap3A_19] : memref<10000x128xf32, #tpu.memory_space<vmem>>, vector<10000x128xf32>
    tpu.vector_store %arg3[%swap3A, %swap3A_19], %dot_general3A_18 {strides = array<i32>} : memref<10000x128xf32, #tpu.memory_space<vmem>>, vector<10000x128xf32>,
    %mul3A = vector.broadcast %rsqrt3A : vector<10000x1xf32> to vector<10000x128xf32>
    %mul3A_21 = arith.mulf %dot_general3A_18, %mul3A : vector<10000x128xf32>
    %swap3A_22 = arith.constant 0 : index
    %swap3A_23 = arith.constant 0 : index
    %swap3A_24 = vector.load %arg4[%swap3A_22, %swap3A_23] : memref<10000x128xf32, #tpu.memory_space<vmem>>, vector<10000x128xf32>
    tpu.vector_store %arg4[%swap3A_22, %swap3A_23], %mul3A_21 {strides = array<i32>} : memref<10000x128xf32, #tpu.memory_space<vmem>>, vector<10000x128xf32>,
    return
  }
}

module attributes {stable_mosaic.version = 14 : i64} {
  func.func @_tc_fin_body(%arg0: memref<2x10112x128xf32, #tpu.memory_space<vmem>>, %arg1: memref<10000x128xf32, #tpu.memory_space<vmem>>, %arg2: memref<2x10112x128xf32, #tpu.memory_space<vmem>>, %arg3: memref<128xf32, #tpu.memory_space<vmem>>, %arg4: memref<10000x128xf32, #tpu.memory_space<vmem>>, %arg5: memref<128xf32, #tpu.memory_space<vmem>>, %arg6: memref<128xf32, #tpu.memory_space<vmem>>, %arg7: memref<128xf32, #tpu.memory_space<vmem>>, %arg8: memref<128xf32, #tpu.memory_space<vmem>>, %arg9: memref<10000x128xf32, #tpu.memory_space<vmem>>) attributes {dimension_semantics = [], scalar_prefetch = 0 : i64, scratch_operands = 0 : i64, tpu.core_type = #tpu.core_type<tc>} {
    %get3A = arith.constant 0 : index
    %get3A_0 = arith.constant 0 : index
    %get3A_1 = arith.constant 0 : index
    %get3A_2 = vector.load %arg0[%get3A, %get3A_0, %get3A_1] : memref<2x10112x128xf32, #tpu.memory_space<vmem>>, vector<1x10000x1xf32>
    %get3A_3 = vector.shape_cast %get3A_2 : vector<1x10000x1xf32> to vector<10000x1xf32>
    %get3A_4 = arith.constant 1 : index
    %get3A_5 = arith.constant 0 : index
    %get3A_6 = arith.constant 0 : index
    %get3A_7 = vector.load %arg0[%get3A_4, %get3A_5, %get3A_6] : memref<2x10112x128xf32, #tpu.memory_space<vmem>>, vector<1x10000x1xf32>
    %get3A_8 = vector.shape_cast %get3A_7 : vector<1x10000x1xf32> to vector<10000x1xf32>
    %add3A = arith.addf %get3A_3, %get3A_8 : vector<10000x1xf32>
    %add3A_9 = arith.constant 1.000000e+00 : f32
    %add3A_10 = vector.broadcast %add3A_9 : f32 to vector<10000x1xf32>
    %add3A_11 = arith.addf %add3A, %add3A_10 : vector<10000x1xf32>
    %rsqrt3A = math.rsqrt %add3A_11 : vector<10000x1xf32>
    %get3A_12 = arith.constant 0 : index
    %get3A_13 = arith.constant 0 : index
    %get3A_14 = arith.constant 0 : index
    %get3A_15 = vector.load %arg2[%get3A_12, %get3A_13, %get3A_14] : memref<2x10112x128xf32, #tpu.memory_space<vmem>>, vector<1x10000x128xf32>
    %get3A_16 = vector.shape_cast %get3A_15 : vector<1x10000x128xf32> to vector<10000x128xf32>
    %get3A_17 = arith.constant 1 : index
    %get3A_18 = arith.constant 0 : index
    %get3A_19 = arith.constant 0 : index
    %get3A_20 = vector.load %arg2[%get3A_17, %get3A_18, %get3A_19] : memref<2x10112x128xf32, #tpu.memory_space<vmem>>, vector<1x10000x128xf32>
    %get3A_21 = vector.shape_cast %get3A_20 : vector<1x10000x128xf32> to vector<10000x128xf32>
    %add3A_22 = arith.addf %get3A_16, %get3A_21 : vector<10000x128xf32>
    %mul3A = vector.broadcast %rsqrt3A : vector<10000x1xf32> to vector<10000x128xf32>
    %mul3A_23 = arith.mulf %mul3A, %add3A_22 : vector<10000x128xf32>
    %mul3A_24 = arith.mulf %rsqrt3A, %rsqrt3A : vector<10000x1xf32>
    %get3A_25 = arith.constant 0 : index
    %get3A_26 = arith.constant 0 : index
    %get3A_27 = vector.load %arg1[%get3A_25, %get3A_26] : memref<10000x128xf32, #tpu.memory_space<vmem>>, vector<10000x128xf32>
    %mul3A_28 = vector.broadcast %mul3A_24 : vector<10000x1xf32> to vector<10000x128xf32>
    %mul3A_29 = arith.mulf %mul3A_28, %get3A_27 : vector<10000x128xf32>
    %add3A_30 = arith.addf %mul3A_23, %mul3A_29 : vector<10000x128xf32>
    %get3A_31 = arith.constant 0 : index
    %get3A_32 = vector.load %arg3[%get3A_31] : memref<128xf32, #tpu.memory_space<vmem>>, vector<128xf32>
    %broadcast_in_dim3A = vector.shape_cast %get3A_32 : vector<128xf32> to vector<1x128xf32>
    %add3A_33 = vector.broadcast %broadcast_in_dim3A : vector<1x128xf32> to vector<10000x128xf32>
    %add3A_34 = arith.addf %add3A_30, %add3A_33 : vector<10000x128xf32>
    %get3A_35 = arith.constant 0 : index
    %get3A_36 = arith.constant 0 : index
    %get3A_37 = vector.load %arg4[%get3A_35, %get3A_36] : memref<10000x128xf32, #tpu.memory_space<vmem>>, vector<10000x128xf32>
    %add3A_38 = arith.addf %add3A_34, %get3A_37 : vector<10000x128xf32>
    %reduce_sum3A = arith.constant dense<0.000000e+00> : vector<128xf32>
    %reduce_sum3A_39 = vector.multi_reduction <add>, %add3A_38, %reduce_sum3A [0] : vector<10000x128xf32> to vector<128xf32>
    %broadcast_in_dim3A_40 = vector.shape_cast %reduce_sum3A_39 : vector<128xf32> to vector<1x128xf32>
    %div3A = arith.constant 1.000000e+04 : f32
    %div3A_41 = vector.broadcast %div3A : f32 to vector<1x128xf32>
    %div3A_42 = arith.divf %broadcast_in_dim3A_40, %div3A_41 : vector<1x128xf32>
    %sub3A = vector.broadcast %div3A_42 : vector<1x128xf32> to vector<10000x128xf32>
    %sub3A_43 = arith.subf %add3A_38, %sub3A : vector<10000x128xf32>
    %sub3A_44 = vector.broadcast %div3A_42 : vector<1x128xf32> to vector<10000x128xf32>
    %sub3A_45 = arith.subf %add3A_38, %sub3A_44 : vector<10000x128xf32>
    %mul3A_46 = arith.mulf %sub3A_43, %sub3A_45 : vector<10000x128xf32>
    %reduce_sum3A_47 = arith.constant dense<0.000000e+00> : vector<128xf32>
    %reduce_sum3A_48 = vector.multi_reduction <add>, %mul3A_46, %reduce_sum3A_47 [0] : vector<10000x128xf32> to vector<128xf32>
    %broadcast_in_dim3A_49 = vector.shape_cast %reduce_sum3A_48 : vector<128xf32> to vector<1x128xf32>
    %div3A_50 = arith.constant 1.000000e+04 : f32
    %div3A_51 = vector.broadcast %div3A_50 : f32 to vector<1x128xf32>
    %div3A_52 = arith.divf %broadcast_in_dim3A_49, %div3A_51 : vector<1x128xf32>
    %get3A_53 = arith.constant 0 : index
    %get3A_54 = vector.load %arg5[%get3A_53] : memref<128xf32, #tpu.memory_space<vmem>>, vector<128xf32>
    %sub3A_55 = vector.broadcast %div3A_42 : vector<1x128xf32> to vector<10000x128xf32>
    %sub3A_56 = arith.subf %add3A_38, %sub3A_55 : vector<10000x128xf32>
    %broadcast_in_dim3A_57 = vector.shape_cast %get3A_54 : vector<128xf32> to vector<1x128xf32>
    %mul3A_58 = vector.broadcast %broadcast_in_dim3A_57 : vector<1x128xf32> to vector<10000x128xf32>
    %mul3A_59 = arith.mulf %mul3A_58, %sub3A_56 : vector<10000x128xf32>
    %add3A_60 = arith.constant 9.99999974E-6 : f32
    %add3A_61 = vector.broadcast %add3A_60 : f32 to vector<1x128xf32>
    %add3A_62 = arith.addf %div3A_52, %add3A_61 : vector<1x128xf32>
    %rsqrt3A_63 = math.rsqrt %add3A_62 : vector<1x128xf32>
    %mul3A_64 = vector.broadcast %rsqrt3A_63 : vector<1x128xf32> to vector<10000x128xf32>
    %mul3A_65 = arith.mulf %mul3A_59, %mul3A_64 : vector<10000x128xf32>
    %get3A_66 = arith.constant 0 : index
    %get3A_67 = vector.load %arg6[%get3A_66] : memref<128xf32, #tpu.memory_space<vmem>>, vector<128xf32>
    %broadcast_in_dim3A_68 = vector.shape_cast %get3A_67 : vector<128xf32> to vector<1x128xf32>
    %add3A_69 = vector.broadcast %broadcast_in_dim3A_68 : vector<1x128xf32> to vector<10000x128xf32>
    %add3A_70 = arith.addf %mul3A_65, %add3A_69 : vector<10000x128xf32>
    %reduce_sum3A_71 = arith.constant dense<0.000000e+00> : vector<10000xf32>
    %reduce_sum3A_72 = vector.multi_reduction <add>, %add3A_70, %reduce_sum3A_71 [1] : vector<10000x128xf32> to vector<10000xf32>
    %broadcast_in_dim3A_73 = vector.shape_cast %reduce_sum3A_72 : vector<10000xf32> to vector<10000x1xf32>
    %div3A_74 = arith.constant 1.280000e+02 : f32
    %div3A_75 = vector.broadcast %div3A_74 : f32 to vector<10000x1xf32>
    %div3A_76 = arith.divf %broadcast_in_dim3A_73, %div3A_75 : vector<10000x1xf32>
    %sub3A_77 = vector.broadcast %div3A_76 : vector<10000x1xf32> to vector<10000x128xf32>
    %sub3A_78 = arith.subf %add3A_70, %sub3A_77 : vector<10000x128xf32>
    %sub3A_79 = vector.broadcast %div3A_76 : vector<10000x1xf32> to vector<10000x128xf32>
    %sub3A_80 = arith.subf %add3A_70, %sub3A_79 : vector<10000x128xf32>
    %mul3A_81 = arith.mulf %sub3A_78, %sub3A_80 : vector<10000x128xf32>
    %reduce_sum3A_82 = arith.constant dense<0.000000e+00> : vector<10000xf32>
    %reduce_sum3A_83 = vector.multi_reduction <add>, %mul3A_81, %reduce_sum3A_82 [1] : vector<10000x128xf32> to vector<10000xf32>
    %broadcast_in_dim3A_84 = vector.shape_cast %reduce_sum3A_83 : vector<10000xf32> to vector<10000x1xf32>
    %div3A_85 = arith.constant 1.280000e+02 : f32
    %div3A_86 = vector.broadcast %div3A_85 : f32 to vector<10000x1xf32>
    %div3A_87 = arith.divf %broadcast_in_dim3A_84, %div3A_86 : vector<10000x1xf32>
    %get3A_88 = arith.constant 0 : index
    %get3A_89 = vector.load %arg7[%get3A_88] : memref<128xf32, #tpu.memory_space<vmem>>, vector<128xf32>
    %sub3A_90 = vector.broadcast %div3A_76 : vector<10000x1xf32> to vector<10000x128xf32>
    %sub3A_91 = arith.subf %add3A_70, %sub3A_90 : vector<10000x128xf32>
    %broadcast_in_dim3A_92 = vector.shape_cast %get3A_89 : vector<128xf32> to vector<1x128xf32>
    %mul3A_93 = vector.broadcast %broadcast_in_dim3A_92 : vector<1x128xf32> to vector<10000x128xf32>
    %mul3A_94 = arith.mulf %mul3A_93, %sub3A_91 : vector<10000x128xf32>
    %add3A_95 = arith.constant 9.99999974E-6 : f32
    %add3A_96 = vector.broadcast %add3A_95 : f32 to vector<10000x1xf32>
    %add3A_97 = arith.addf %div3A_87, %add3A_96 : vector<10000x1xf32>
    %rsqrt3A_98 = math.rsqrt %add3A_97 : vector<10000x1xf32>
    %mul3A_99 = vector.broadcast %rsqrt3A_98 : vector<10000x1xf32> to vector<10000x128xf32>
    %mul3A_100 = arith.mulf %mul3A_94, %mul3A_99 : vector<10000x128xf32>
    %get3A_101 = arith.constant 0 : index
    %get3A_102 = vector.load %arg8[%get3A_101] : memref<128xf32, #tpu.memory_space<vmem>>, vector<128xf32>
    %broadcast_in_dim3A_103 = vector.shape_cast %get3A_102 : vector<128xf32> to vector<1x128xf32>
    %add3A_104 = vector.broadcast %broadcast_in_dim3A_103 : vector<1x128xf32> to vector<10000x128xf32>
    %add3A_105 = arith.addf %mul3A_100, %add3A_104 : vector<10000x128xf32>
    %swap3A = arith.constant 0 : index
    %swap3A_106 = arith.constant 0 : index
    %swap3A_107 = vector.load %arg9[%swap3A, %swap3A_106] : memref<10000x128xf32, #tpu.memory_space<vmem>>, vector<10000x128xf32>
    tpu.vector_store %arg9[%swap3A, %swap3A_106], %add3A_105 {strides = array<i32>} : memref<10000x128xf32, #tpu.memory_space<vmem>>, vector<10000x128xf32>,
    return
  }
}

</mosaic_0001>

<sc_bundles>
// kernel: kernel.12.cloned.1.call-start
scs
__scs_entry_jumppad:
0x0: {  	(pc) =	sbr.rel $0x88, $3  }
0x1: {  	(tag) =	ssettag $0x0;
	lr =	simm.s32 $0x1  }
0x2: {  	[smem:$0x3F8D] =	sst lr;
	_ =	strace $0xD0000000  }
0x3: {  	_ = 	snop  }
0x4: {  	_ = 	snop  }
0x5: {  	_ = 	snop  }
0x6: {  	_ = 	snop  }
0x7: {  	_ = 	snop  }
__scs_overlays_trampoline_lowered:
0x8: {  	[smem:$0x3F9C] =	sst s0  }
0x9: {  	[smem:$0x3F9D] =	sst s1  }
0xa: {  	[smem:$0x3F9E] =	sst s2  }
0xb: {  	[smem:$0x3F9F] =	sst s3  }
0xc: {  	[smem:$0x3FA0] =	sst s4  }
0xd: {  	[smem:$0x3FA1] =	sst s5  }
0xe: {  	[smem:$0x3FA2] =	sst s6  }
0xf: {  	[smem:$0x3FA3] =	sst s7  }
0x10: {  	[smem:$0x3FA4] =	sst s8  }
0x11: {  	[smem:$0x3FA5] =	sst s9;
	s0 =	simm.s32 @!p0 $0x0  }
0x12: {  	s1 =	sld [smem:$0x3F8B];
	s0 =	simm.s32 @p0 $0x1  }
0x13: {  	[smem:$0x3FA6] =	sst s0;
	s0 =	simm.s32 @!p1 $0x0  }
0x14: {  	s2 =	sld [smem:$0x3F8A];
	s0 =	simm.s32 @p1 $0x1  }
0x15: {  	[smem:$0x3FA7] =	sst s0;
	s0 =	simm.s32 @!p2 $0x0  }
0x16: {  	s3 =	sld [smem:$0x3FDB];
	s0 =	simm.s32 @p2 $0x1  }
0x17: {  	s4 =	simm.s32 $0x1BF5;
	[smem:$0x3FA9] =	sst s0  }
0x18: {  	s0 =	sld [smem:$0x3F8C];
	_ =	swait.ge [sflag:s4], $0x0  }
0x19: {  	s7 =	sld [smem:$0x3F8D]  }
0x1a: {  	s8 =	sadd.s32 $0xFFFFE003, lr  }
0x1b: {  	s9 =	sadd.s32 $0xFFFFFEF7, lr;
	s5 =	simm.s32 $0xFFFFFFFF;
	p2 =	slt.u32 s8, $0xFFFFF086  }
0x1c: {  	p1 =	slt.u32 s9, $0xF7A;
	s5 =	simm.s32 @!p2 $0x0  }
0x1d: {  	s5 =	simm.s32 @p1 $0x1;
	p0 =	seq.s32 s7, s2  }
0x1e: {  	s7 =	smul.u32 @!p0 $0xF7A, s2;
	p2 =	seq.s32 @!p0 s5, $0x0  }
0x1f: {  	s9 =	smul.u32 $0xF7A, s1;
	s8 =	simm.s32 @!p0 $0x1BF5;
	p2 =	por !p2, p0  }
0x20: {  	[sflag:s8] =	ssyncset.s32 @!p0 $0xFFFFF086;
	s6 =	sadd.s32 @!p0 s3, s7;
	s7 =	simm.s32 @!p0 $0x108  }
0x21: {  	s3 =	sadd.s32 s3, s9;
	s6 =	sadd.s32 @!p0 $0x88, s6;
	s7 =	simm.s32 @p2 $0x1082  }
0x22: {  	[simem:s7], [sflag:s8] =	dma.local @!p0 [hbm:s6], $0xF7A  }
0x23: {  	s9 =	sor.u32 $0xD0000000, s2;
	s6 =	simm.s32 $0x108;
	_ =	swait.ge @!p0 [sflag:s8], $0x0  }
0x24: {  	s3 =	sadd.s32 $0x88, s3;
	s6 =	simm.s32 @!p1 $0x1082;
	[sflag:s4] =	ssyncset.s32 $0xFFFFF086  }
0x25: {  	[simem:s6], [sflag:s4] =	dma.local [hbm:s3], $0xF7A  }
0x26: {  	[smem:$0x3F8D] =	sst s1;
	(tag) =	ssettag s2;
	_ =	strace s9  }
0x27: {  	s1 =	sld [smem:$0x3F9D]  }
0x28: {  	s2 =	sld [smem:$0x3F9E]  }
0x29: {  	s4 =	sld [smem:$0x3FA0]  }
0x2a: {  	p0 =	seq.s32 s5, $0x0;
	s5 =	sld [smem:$0x3FA1]  }
0x2b: {  	s6 =	sld [smem:$0x3FA2]  }
0x2c: {  	s7 =	sld [smem:$0x3FA3]  }
0x2d: {  	s3 =	simm.s32 $0x108;
	s8 =	sld [smem:$0x3FA4]  }
0x2e: {  	s3 =	simm.s32 @!p0 $0x1082;
	s9 =	sld [smem:$0x3FA5]  }
0x2f: {  	lr =	sadd.s32 s0, s3;
	s0 =	sld [smem:$0x3F9C]  }
0x30: {  	s3 =	sld [smem:$0x3F9F]  }
0x31: {  	[smem:$0x3FA8] =	sst s10  }
0x32: {  	s10 =	sld [smem:$0x3FA6];
	_ =	sdelay $0x3  }
0x33: {  	p0 =	seq.s32 s10, $0x1;
	s10 =	sld [smem:$0x3FA8];
	_ =	sdelay $0x3  }
0x34: {  	[smem:$0x3FA8] =	sst s10  }
0x35: {  	s10 =	sld [smem:$0x3FA7];
	_ =	sdelay $0x3  }
0x36: {  	p1 =	seq.s32 s10, $0x1;
	s10 =	sld [smem:$0x3FA8];
	_ =	sdelay $0x3  }
0x37: {  	[smem:$0x3FA8] =	sst s10  }
0x38: {  	s10 =	sld [smem:$0x3FA9]  }
0x39: {  	_ = 	snop;
	(pc) =	sbr.ind lr, $3  }
0x3a: {  	_ = 	snop  }
0x3b: {  	_ = 	snop  }
0x3c: {  	p2 =	seq.s32 s10, $0x1;
	s10 =	sld [smem:$0x3FA8]  }
0x3d: {  	_ =	shalt  }
0x3e: {  	_ =	shalt  }
0x3f: {  	_ =	shalt  }
0x40: {  	_ =	shalt  }
0x41: {  	_ =	shalt  }
0x42: {  	_ =	shalt  }
0x43: {  	_ =	shalt  }
0x44: {  	_ =	shalt  }
0x45: {  	_ =	shalt  }
0x46: {  	_ =	shalt  }
0x47: {  	_ =	shalt  }
0x48: {  	_ =	shalt  }
0x49: {  	_ =	shalt  }
0x4a: {  	_ =	shalt  }
0x4b: {  	_ =	shalt  }
0x4c: {  	_ =	shalt  }
0x4d: {  	_ =	shalt  }
0x4e: {  	_ =	shalt  }
0x4f: {  	_ =	shalt  }
0x50: {  	_ =	shalt  }
0x51: {  	_ =	shalt  }
0x52: {  	_ =	shalt  }
0x53: {  	_ =	shalt  }
0x54: {  	_ =	shalt  }
0x55: {  	_ =	shalt  }
0x56: {  	_ =	shalt  }
0x57: {  	_ =	shalt  }
0x58: {  	_ =	shalt  }
0x59: {  	_ =	shalt  }
0x5a: {  	_ =	shalt  }
0x5b: {  	_ =	shalt  }
0x5c: {  	_ =	shalt  }
0x5d: {  	_ =	shalt  }
0x5e: {  	_ =	shalt  }
0x5f: {  	_ =	shalt  }
0x60: {  	_ =	shalt  }
0x61: {  	_ =	shalt  }
0x62: {  	_ =	shalt  }
0x63: {  	_ =	shalt  }
0x64: {  	_ =	shalt  }
0x65: {  	_ =	shalt  }
0x66: {  	_ =	shalt  }
0x67: {  	_ =	shalt  }
0x68: {  	_ =	shalt  }
0x69: {  	_ =	shalt  }
0x6a: {  	_ =	shalt  }
0x6b: {  	_ =	shalt  }
0x6c: {  	_ =	shalt  }
0x6d: {  	_ =	shalt  }
0x6e: {  	_ =	shalt  }
0x6f: {  	_ =	shalt  }
0x70: {  	_ =	shalt  }
0x71: {  	_ =	shalt  }
0x72: {  	_ =	shalt  }
0x73: {  	_ =	shalt  }
0x74: {  	_ =	shalt  }
0x75: {  	_ =	shalt  }
0x76: {  	_ =	shalt  }
0x77: {  	_ =	shalt  }
0x78: {  	_ =	shalt  }
0x79: {  	_ =	shalt  }
0x7a: {  	_ =	shalt  }
0x7b: {  	_ =	shalt  }
0x7c: {  	_ =	shalt  }
0x7d: {  	_ =	shalt  }
0x7e: {  	_ =	shalt  }
0x7f: {  	_ =	shalt  }
0x80: {  	_ =	shalt  }
0x81: {  	_ =	shalt  }
0x82: {  	_ =	shalt  }
0x83: {  	_ =	shalt  }
0x84: {  	_ =	shalt  }
0x85: {  	_ =	shalt  }
0x86: {  	_ =	shalt  }
0x87: {  	_ =	shalt  }
.Lfunc_end0:
.L_simem_size_0:
called_computation_lowered:
.L_overlay_start_0:
0x88: {  	s2 =	sld [smem:$0x3FD9]  }
0x89: {  	s3 =	sld [smem:$0x3FFE];
	_ =	sdelay $0x1  }
0x8a: {  	s1 =	srdreg.scid  }
0x8b: {  	s0 =	sand.u32 $0x1, s1  }
0x8c: {  	s17 =	sshll.u32 s0, $0xA;
	s2 =	sadd.s32 s3, s2  }
0x8d: {  	s2 =	sadd.s32 s2, s17  }
0x8e: {  	[smem:$0x3FB4] =	sst s2  }
0x8f: {  	_ = 	snop  }
0x90: {  	s2 =	sld [smem:$0x3FD0];
	(tm) =	ssettm $0x1  }
0x91: {  	s18 =	sld [smem:$0x3FFB];
	_ =	sdelay $0x3  }
0x92: {  	_ =	strace s18  }
0x93: {  	s3 =	sld [smem:$0x3FFC];
	_ =	sdelay $0x3  }
0x94: {  	_ =	strace s3  }
0x95: {  	s3 =	sld [smem:$0x3FFD];
	_ =	sdelay $0x3  }
0x96: {  	_ =	strace s3  }
0x97: {  	_ =	strace $0x8FFFFFFF  }
0x98: {  	s19 =	sld [smem:$0x3FDB];
	_ =	sdelay $0x1  }
0x99: {  	s4 =	simm.s32 $_scs_section_size  }
0x9a: {  	s5 =	simm.s32 $_size__tile_overlayer_lowered;
	s6 =	simm.s32 $_tile_overlayer_lowered  }
0x9b: {  	s22 =	simm.s32 $0x1BFF;
	s21 =	sshll.u32 s6, $0x1;
	s3 =	sadd.s32 s4, s19  }
0x9c: {  	s7 =	simm.s32 $0x0;
	s20 =	sshll.u32 s5, $0x1;
	s5 =	sadd.s32 s21, s3  }
0x9d: {  	[timem:s7], [sflag:s22] =	dma.local [hbm:s5], s20  }
0x9e: {  	_ =	swait.ge [sflag:s22], s20  }
0x9f: {  	s4 =	ssub.s32 $0x0, s20;
	[sflag:s22] =	ssyncset.done $0x0  }
0xa0: {  	[sflag:s22] =	ssyncadd.s32 s4;
	_ =	sdelay $0x1  }
0xa1: {  	s23 =	simm.s32 $0x1B8B  }
0xa2: {  	_ =	swait.ge [sflag:s23], $0x1  }
0xa3: {  	[sflag:s23] =	ssyncset.done $0x0  }
0xa4: {  	s25 =	simm.s32 $0x1B8E;
	s24 =	sld [smem:$0x3FFE];
	[sflag:s23] =	ssyncadd.s32 $0xFFFFFFFF  }
0xa5: {  	s26 =	simm.s32 $execute0_lowered;
	[smem:$0x3FD2] =	sst s25  }
0xa6: {  	s5 =	sshll.u32 s26, $0x1;
	_ =	strace $0x80000046;
	[dreg:$0x1] =	wrdreg $0xFFFFFFFF  }
0xa7: {  	s28 =	simm.s32 $_size_execute0_lowered;
	s3 =	sadd.s32 s3, s5;
	[dreg:$0x0] =	wrdreg $0x0  }
0xa8: {  	s5 =	sshll.u32 s28, $0x1;
	[dreg:$0x2] =	wrdreg s3  }
0xa9: {  	[dreg:$0x3] =	wrdreg s5  }
0xaa: {  	[dreg:$0x4] =	wrdreg $0xC0  }
0xab: {  	_ =	task [dreg:s7], $0x5FFFF  }
0xac: {  	[dreg:$0x1] =	wrdreg $0xFFFFFFFF  }
0xad: {  	[dreg:$0x0] =	wrdreg $0x60  }
0xae: {  	[dreg:$0x2] =	wrdreg s24  }
0xaf: {  	[dreg:$0x3] =	wrdreg s2  }
0xb0: {  	[dreg:$0x4] =	wrdreg $0x68000  }
0xb1: {  	[dreg:$0x5] =	wrdreg $0x9  }
0xb2: {  	_ =	task.clear_ibuf [dreg:s7], $0x6FFFF;
	_ =	strace $0x90000046  }
0xb3: {  	s29 =	simm.s32 $0x9;
	_ =	strace $0x80000048  }
0xb4: {  	_ =	swait.ge [sflag:s29], $0x1  }
0xb5: {  	[sflag:s29] =	ssyncadd.s32 $0xFFFFFFFF  }
0xb6: {  	_ =	strace $0x90000048  }
0xb7: {  	_ =	sfence  }
0xb8: {  	s30 =	sld [smem:$0x0];
	_ =	sdelay $0x2  }
0xb9: {  	s31 =	sshll.u32 s1, $0xD;
	s1 =	sshrl.u32 s1, $0x2  }
0xba: {  	s3 =	sand.u32 $0x4000, s31;
	s1 =	sadd.s32 s1, s30  }
0xbb: {  	s0 =	sor.u32 s3, s0;
	s1 =	sshll.u32 s1, $0x11  }
0xbc: {  	s0 =	sor.u32 s1, s0  }
0xbd: {  	s0 =	sadd.s32 $0x8F2B, s0  }
0xbe: {  	[sflag:s0] =	ssyncadd.remote.s32 $0x1  }
0xbf: {  	_ =	sfence.sel $0xFFFF  }
0xc0: {  	[dreg:$0x0] =	wrdreg $0xFFFFFFFF;
	(pc) =	sbr.abs _section_cstart, $3  }
0xc1: {  	[dreg:$0x1] =	wrdreg $0xFFFFFFFF  }
0xc2: {  	_ =	task.clear_ibuf [dreg:s7], $0x2FFFF;
	_ =	strace $0x9FFFFFFF  }
0xc3: {  	(tm) =	ssettm $0x7FFFFFFF  }
tec
execute0_lowered:
.L_overlay_start_1:
0x0: {  	(tag) =	ssettag $0x1  }
0x1: {  	s5 =	rddreg [dreg:$0x0]  }
0x2: {  	s1 =	srdreg.scid;
	s2 =	rddreg [dreg:$0x1]  }
0x3: {  	s0 =	stileid.u32;
	s3 =	rddreg [dreg:$0x2]  }
0x4: {  	s4 =	simm.s32 $0x0;
	s13 =	simm.s32 $0x80;
	s14 =	simm.s32 $0x0  }
0x5: {  	s6 =	sand.u32 $0x1, s1;
	s28 =	sshll.u32 s0, $0x1;
	s8 =	smul.u32 $0x13C00, s0  }
0x6: {  	[smem:$0x7FF] =	sst s4;
	s29 =	smul.u32 $0x4F000, s0;
	s31 =	sshll.u32 s0, $0x6  }
0x7: {  	s1 =	sor.u32 s6, s28;
	s9 =	smul.u32 $0x13C000, s6;
	s6 =	ssub.s32 $0x2, s6  }
0x8: {  	s7 =	smul.u32 $0x500, s1;
	s1 =	rddreg [dreg:$0x3];
	_ =	strace $0x80000047  }
0x9: {  	s10 =	sshrl.u32 s8, $0x3;
	s11 =	sshrl.u32 s6, $0x1;
	s30 =	sshrl.u32 s29, $0x2  }
0xa: {  	s8 =	sadd.s32 s8, s9;
	s10 =	sadd.s32 s10, s5;
	s11 =	ssub.s32 s6, s11  }
0xb: {  	s12 =	sadd.s32 s30, s3;
	s6 =	sor.u32 $0x1C01, s31;
	s7 =	sadd.s32 s7, s5  }
0xc: {  	s8 =	sshrl.u32 s8, $0x3;
	s9 =	smax.u32 s11, $0x1;
	s11 =	simm.s32 $0x1  }
0xd: {  	s8 =	sadd.s32 s8, s5;
	s5 =	sadd.s32 $0x19600, s10;
	s7 =	sadd.s32 $0xF600, s7  }
0xe: {  	s10 =	sshrl.u32 s12, $0x3;
	s12 =	simm.s32 $0x2800;
	s8 =	sadd.s32 $0x40E00, s8  }
.LBB2_1:
0xf: {  	[spmem:s10], [sflag:s6] =	dma.local [hbm:s5], $0x2780  }
0x10: {  	_ =	swait.ge [sflag:s11], $0x2780  }
0x11: {  	[sflag:s11] =	ssyncset.done $0x0  }
0x12: {  	[sflag:s11] =	ssyncadd.s32 $0xFFFFD880  }
0x13: {  	[tilespmem:s12], [sflag:$0x1] =	stream.linear.gather [hbm4b:s2+s4], $0x4000, $0x38;
	[tilespmem:$0x1A400] =	vst v63  }
0x14: {  	_ =	swait.ge [sflag:s11], $0x4000  }
0x15: {  	[sflag:s11] =	ssyncset.done $0x0  }
0x16: {  	[sflag:s11] =	ssyncadd.s32 $0xFFFFC000  }
0x17: {  	[tilespmem:s4], [sflag:$0x1] =	stream.linear.gather [hbm4b:s7+s4], $0x2800, $0x38;
	[tilespmem:$0x1A400] =	vst v63  }
0x18: {  	_ =	swait.ge [sflag:s11], $0x2800  }
0x19: {  	[sflag:s11] =	ssyncset.done $0x0  }
0x1a: {  	[sflag:s11] =	ssyncadd.s32 $0xFFFFD800  }
0x1b: {  	s15 =	simm.s32 $0x0;
	[bflag:$0x0] =	sbarrier.arrive $0xFFFF  }
0x1c: {  	[spmem:s3] =	stream.indirect.scatter.add.f32 [tilespmem:s12], [sflag:$0x1], $0x80, s15, s13, $0xb8;
	[tilespmem:$0x1A400] =	vst v63  }
0x1d: {  	_ =	swait.ge [sflag:s11], $0x4000  }
0x1e: {  	s15 =	simm.s32 $0x200;
	[sflag:s11] =	ssyncset.done $0x0  }
.LBB2_2:
0x1f: {  	s16 =	sshra.s32 s15, $0x2;
	[sflag:s11] =	ssyncadd.s32 $0xFFFFC000;
	p0 =	sne.s32 s15, $0x9E00  }
0x20: {  	[spmem:s3] =	stream.indirect.scatter.add.f32 [tilespmem:s12], [sflag:$0x1], $0x80, s16, s13, $0xb8;
	[tilespmem:$0x1A400] =	vst v63  }
.Ltmp0:
0x21: {  	_ = 	snop;
	(pc) =	sbr.rel @p0 .LBB2_2-.Ltmp0, $4  }
0x22: {  	_ = 	snop  }
0x23: {  	s15 =	sadd.s32 $0x200, s15  }
0x24: {  	_ =	swait.ge [sflag:s11], $0x4000  }
0x25: {  	[sflag:s11] =	ssyncset.done $0x0  }
0x26: {  	s14 =	sadd.s32 $0x1, s14  }
0x27: {  	[sflag:s11] =	ssyncadd.s32 $0xFFFFC000;
	p0 =	sne.s32 s14, s9  }
.Ltmp1:
0x28: {  	[bflag:$0x0] =	sbarrier.arrive $0xFFFF;
	(pc) =	sbr.rel @p0 .LBB2_1-.Ltmp1, $4  }
0x29: {  	[hbm:s8], [sflag:s6] =	dma.local [spmem:s10], $0x2780  }
0x2a: {  	_ =	swait.ge [sflag:s11], $0x2780  }
0x2b: {  	[sflag:s11] =	ssyncset.done $0x0  }
0x2c: {  	[sflag:s11] =	ssyncadd.s32 $0xFFFFD880  }
0x2d: {  	_ =	sfence.sel $0x180000  }
0x2e: {  	[bflag:$0x0] =	sbarrier.arrive $0xFFFF  }
0x2f: {  	p0 =	sne.s32 s0, $0x0;
	_ =	strace $0x90000047  }
0x30: {  	s0 =	sadd.s32 @!p0 $0x100000, s1;
	[bflag:$0x2] =	sbarrier.arrive $0xFFFF  }
0x31: {  	[sflag:s0] =	ssyncadd.tile.s32 @!p0 $0x1;
	_ =	shalt  }
.Lfunc_end2:
_tile_overlayer_lowered:
.L_overlay_start_2:
0x32: {  	(tag) =	ssettag $0x2  }
0x33: {  	s0 =	rddreg [dreg:$0x0];
	s2 =	stileid.u32  }
0x34: {  	s1 =	rddreg [dreg:$0x1];
	p0 =	sne.s32 s2, $0x0  }
0x35: {  	s3 =	rddreg [dreg:$0x2];
	[bflag:$0x3] =	sbarrier.arrive $0xFFFF;
	s2 =	simm.s32 @!p0 $0x1C01  }
0x36: {  	[timem:s3], [sflag:s2] =	dma.local @!p0 [hbm:s0], s1  }
0x37: {  	s0 =	simm.s32 @!p0 $0x1  }
0x38: {  	_ =	swait.ge @!p0 [sflag:s0], s1  }
0x39: {  	s1 =	ssub.s32 @!p0 $0x0, s1;
	[sflag:s0] =	ssyncset.done @!p0 $0x0  }
0x3a: {  	[sflag:s0] =	ssyncadd.s32 @!p0 s1  }
0x3b: {  	[bflag:$0x3] =	sbarrier.arrive $0xFFFF  }
0x3c: {  	_ =	shalt  }

// kernel: kernel.15.cloned.1.call-start
scs
__scs_entry_jumppad:
0x0: {  	(pc) =	sbr.rel $0x88, $3  }
0x1: {  	(tag) =	ssettag $0x0;
	lr =	simm.s32 $0x1  }
0x2: {  	[smem:$0x3F8D] =	sst lr;
	_ =	strace $0xD0000000  }
0x3: {  	_ = 	snop  }
0x4: {  	_ = 	snop  }
0x5: {  	_ = 	snop  }
0x6: {  	_ = 	snop  }
0x7: {  	_ = 	snop  }
__scs_overlays_trampoline_lowered:
0x8: {  	[smem:$0x3F9C] =	sst s0  }
0x9: {  	[smem:$0x3F9D] =	sst s1  }
0xa: {  	[smem:$0x3F9E] =	sst s2  }
0xb: {  	[smem:$0x3F9F] =	sst s3  }
0xc: {  	[smem:$0x3FA0] =	sst s4  }
0xd: {  	[smem:$0x3FA1] =	sst s5  }
0xe: {  	[smem:$0x3FA2] =	sst s6  }
0xf: {  	[smem:$0x3FA3] =	sst s7  }
0x10: {  	[smem:$0x3FA4] =	sst s8  }
0x11: {  	[smem:$0x3FA5] =	sst s9;
	s0 =	simm.s32 @!p0 $0x0  }
0x12: {  	s1 =	sld [smem:$0x3F8B];
	s0 =	simm.s32 @p0 $0x1  }
0x13: {  	[smem:$0x3FA6] =	sst s0;
	s0 =	simm.s32 @!p1 $0x0  }
0x14: {  	s2 =	sld [smem:$0x3F8A];
	s0 =	simm.s32 @p1 $0x1  }
0x15: {  	[smem:$0x3FA7] =	sst s0;
	s0 =	simm.s32 @!p2 $0x0  }
0x16: {  	s3 =	sld [smem:$0x3FDB];
	s0 =	simm.s32 @p2 $0x1  }
0x17: {  	s4 =	simm.s32 $0x1BF5;
	[smem:$0x3FA9] =	sst s0  }
0x18: {  	s0 =	sld [smem:$0x3F8C];
	_ =	swait.ge [sflag:s4], $0x0  }
0x19: {  	s7 =	sld [smem:$0x3F8D]  }
0x1a: {  	s8 =	sadd.s32 $0xFFFFE003, lr  }
0x1b: {  	s9 =	sadd.s32 $0xFFFFFEF7, lr;
	s5 =	simm.s32 $0xFFFFFFFF;
	p2 =	slt.u32 s8, $0xFFFFF086  }
0x1c: {  	p1 =	slt.u32 s9, $0xF7A;
	s5 =	simm.s32 @!p2 $0x0  }
0x1d: {  	s5 =	simm.s32 @p1 $0x1;
	p0 =	seq.s32 s7, s2  }
0x1e: {  	s7 =	smul.u32 @!p0 $0xF7A, s2;
	p2 =	seq.s32 @!p0 s5, $0x0  }
0x1f: {  	s9 =	smul.u32 $0xF7A, s1;
	s8 =	simm.s32 @!p0 $0x1BF5;
	p2 =	por !p2, p0  }
0x20: {  	[sflag:s8] =	ssyncset.s32 @!p0 $0xFFFFF086;
	s6 =	sadd.s32 @!p0 s3, s7;
	s7 =	simm.s32 @!p0 $0x108  }
0x21: {  	s3 =	sadd.s32 s3, s9;
	s6 =	sadd.s32 @!p0 $0x88, s6;
	s7 =	simm.s32 @p2 $0x1082  }
0x22: {  	[simem:s7], [sflag:s8] =	dma.local @!p0 [hbm:s6], $0xF7A  }
0x23: {  	s9 =	sor.u32 $0xD0000000, s2;
	s6 =	simm.s32 $0x108;
	_ =	swait.ge @!p0 [sflag:s8], $0x0  }
0x24: {  	s3 =	sadd.s32 $0x88, s3;
	s6 =	simm.s32 @!p1 $0x1082;
	[sflag:s4] =	ssyncset.s32 $0xFFFFF086  }
0x25: {  	[simem:s6], [sflag:s4] =	dma.local [hbm:s3], $0xF7A  }
0x26: {  	[smem:$0x3F8D] =	sst s1;
	(tag) =	ssettag s2;
	_ =	strace s9  }
0x27: {  	s1 =	sld [smem:$0x3F9D]  }
0x28: {  	s2 =	sld [smem:$0x3F9E]  }
0x29: {  	s4 =	sld [smem:$0x3FA0]  }
0x2a: {  	p0 =	seq.s32 s5, $0x0;
	s5 =	sld [smem:$0x3FA1]  }
0x2b: {  	s6 =	sld [smem:$0x3FA2]  }
0x2c: {  	s7 =	sld [smem:$0x3FA3]  }
0x2d: {  	s3 =	simm.s32 $0x108;
	s8 =	sld [smem:$0x3FA4]  }
0x2e: {  	s3 =	simm.s32 @!p0 $0x1082;
	s9 =	sld [smem:$0x3FA5]  }
0x2f: {  	lr =	sadd.s32 s0, s3;
	s0 =	sld [smem:$0x3F9C]  }
0x30: {  	s3 =	sld [smem:$0x3F9F]  }
0x31: {  	[smem:$0x3FA8] =	sst s10  }
0x32: {  	s10 =	sld [smem:$0x3FA6];
	_ =	sdelay $0x3  }
0x33: {  	p0 =	seq.s32 s10, $0x1;
	s10 =	sld [smem:$0x3FA8];
	_ =	sdelay $0x3  }
0x34: {  	[smem:$0x3FA8] =	sst s10  }
0x35: {  	s10 =	sld [smem:$0x3FA7];
	_ =	sdelay $0x3  }
0x36: {  	p1 =	seq.s32 s10, $0x1;
	s10 =	sld [smem:$0x3FA8];
	_ =	sdelay $0x3  }
0x37: {  	[smem:$0x3FA8] =	sst s10  }
0x38: {  	s10 =	sld [smem:$0x3FA9]  }
0x39: {  	_ = 	snop;
	(pc) =	sbr.ind lr, $3  }
0x3a: {  	_ = 	snop  }
0x3b: {  	_ = 	snop  }
0x3c: {  	p2 =	seq.s32 s10, $0x1;
	s10 =	sld [smem:$0x3FA8]  }
0x3d: {  	_ =	shalt  }
0x3e: {  	_ =	shalt  }
0x3f: {  	_ =	shalt  }
0x40: {  	_ =	shalt  }
0x41: {  	_ =	shalt  }
0x42: {  	_ =	shalt  }
0x43: {  	_ =	shalt  }
0x44: {  	_ =	shalt  }
0x45: {  	_ =	shalt  }
0x46: {  	_ =	shalt  }
0x47: {  	_ =	shalt  }
0x48: {  	_ =	shalt  }
0x49: {  	_ =	shalt  }
0x4a: {  	_ =	shalt  }
0x4b: {  	_ =	shalt  }
0x4c: {  	_ =	shalt  }
0x4d: {  	_ =	shalt  }
0x4e: {  	_ =	shalt  }
0x4f: {  	_ =	shalt  }
0x50: {  	_ =	shalt  }
0x51: {  	_ =	shalt  }
0x52: {  	_ =	shalt  }
0x53: {  	_ =	shalt  }
0x54: {  	_ =	shalt  }
0x55: {  	_ =	shalt  }
0x56: {  	_ =	shalt  }
0x57: {  	_ =	shalt  }
0x58: {  	_ =	shalt  }
0x59: {  	_ =	shalt  }
0x5a: {  	_ =	shalt  }
0x5b: {  	_ =	shalt  }
0x5c: {  	_ =	shalt  }
0x5d: {  	_ =	shalt  }
0x5e: {  	_ =	shalt  }
0x5f: {  	_ =	shalt  }
0x60: {  	_ =	shalt  }
0x61: {  	_ =	shalt  }
0x62: {  	_ =	shalt  }
0x63: {  	_ =	shalt  }
0x64: {  	_ =	shalt  }
0x65: {  	_ =	shalt  }
0x66: {  	_ =	shalt  }
0x67: {  	_ =	shalt  }
0x68: {  	_ =	shalt  }
0x69: {  	_ =	shalt  }
0x6a: {  	_ =	shalt  }
0x6b: {  	_ =	shalt  }
0x6c: {  	_ =	shalt  }
0x6d: {  	_ =	shalt  }
0x6e: {  	_ =	shalt  }
0x6f: {  	_ =	shalt  }
0x70: {  	_ =	shalt  }
0x71: {  	_ =	shalt  }
0x72: {  	_ =	shalt  }
0x73: {  	_ =	shalt  }
0x74: {  	_ =	shalt  }
0x75: {  	_ =	shalt  }
0x76: {  	_ =	shalt  }
0x77: {  	_ =	shalt  }
0x78: {  	_ =	shalt  }
0x79: {  	_ =	shalt  }
0x7a: {  	_ =	shalt  }
0x7b: {  	_ =	shalt  }
0x7c: {  	_ =	shalt  }
0x7d: {  	_ =	shalt  }
0x7e: {  	_ =	shalt  }
0x7f: {  	_ =	shalt  }
0x80: {  	_ =	shalt  }
0x81: {  	_ =	shalt  }
0x82: {  	_ =	shalt  }
0x83: {  	_ =	shalt  }
0x84: {  	_ =	shalt  }
0x85: {  	_ =	shalt  }
0x86: {  	_ =	shalt  }
0x87: {  	_ =	shalt  }
.Lfunc_end0:
.L_simem_size_0:
called_computation.1_lowered:
.L_overlay_start_0:
0x88: {  	s2 =	sld [smem:$0x3FD9]  }
0x89: {  	s3 =	sld [smem:$0x3FFE];
	_ =	sdelay $0x1  }
0x8a: {  	s1 =	srdreg.scid  }
0x8b: {  	s0 =	sand.u32 $0x1, s1  }
0x8c: {  	s17 =	sshll.u32 s0, $0xA;
	s2 =	sadd.s32 s3, s2  }
0x8d: {  	s2 =	sadd.s32 s2, s17  }
0x8e: {  	[smem:$0x3FB4] =	sst s2  }
0x8f: {  	_ = 	snop  }
0x90: {  	s2 =	sld [smem:$0x3FD0];
	(tm) =	ssettm $0x1  }
0x91: {  	s18 =	sld [smem:$0x3FFB];
	_ =	sdelay $0x3  }
0x92: {  	_ =	strace s18  }
0x93: {  	s3 =	sld [smem:$0x3FFC];
	_ =	sdelay $0x3  }
0x94: {  	_ =	strace s3  }
0x95: {  	s3 =	sld [smem:$0x3FFD];
	_ =	sdelay $0x3  }
0x96: {  	_ =	strace s3  }
0x97: {  	_ =	strace $0x8FFFFFFF  }
0x98: {  	s19 =	sld [smem:$0x3FDB];
	_ =	sdelay $0x1  }
0x99: {  	s4 =	simm.s32 $_scs_section_size  }
0x9a: {  	s5 =	simm.s32 $_size__tile_overlayer_lowered;
	s6 =	simm.s32 $_tile_overlayer_lowered  }
0x9b: {  	s22 =	simm.s32 $0x1BFF;
	s21 =	sshll.u32 s6, $0x1;
	s3 =	sadd.s32 s4, s19  }
0x9c: {  	s7 =	simm.s32 $0x0;
	s20 =	sshll.u32 s5, $0x1;
	s5 =	sadd.s32 s21, s3  }
0x9d: {  	[timem:s7], [sflag:s22] =	dma.local [hbm:s5], s20  }
0x9e: {  	_ =	swait.ge [sflag:s22], s20  }
0x9f: {  	s4 =	ssub.s32 $0x0, s20;
	[sflag:s22] =	ssyncset.done $0x0  }
0xa0: {  	[sflag:s22] =	ssyncadd.s32 s4;
	_ =	sdelay $0x1  }
0xa1: {  	s23 =	simm.s32 $0x1B8B  }
0xa2: {  	_ =	swait.ge [sflag:s23], $0x1  }
0xa3: {  	[sflag:s23] =	ssyncset.done $0x0  }
0xa4: {  	s25 =	simm.s32 $0x1B8E;
	s24 =	sld [smem:$0x3FFE];
	[sflag:s23] =	ssyncadd.s32 $0xFFFFFFFF  }
0xa5: {  	s26 =	simm.s32 $execute0_lowered;
	[smem:$0x3FD2] =	sst s25  }
0xa6: {  	s5 =	sshll.u32 s26, $0x1;
	_ =	strace $0x80000049;
	[dreg:$0x1] =	wrdreg $0xFFFFFFFF  }
0xa7: {  	s28 =	simm.s32 $_size_execute0_lowered;
	s3 =	sadd.s32 s3, s5;
	[dreg:$0x0] =	wrdreg $0x0  }
0xa8: {  	s5 =	sshll.u32 s28, $0x1;
	[dreg:$0x2] =	wrdreg s3  }
0xa9: {  	[dreg:$0x3] =	wrdreg s5  }
0xaa: {  	[dreg:$0x4] =	wrdreg $0xC0  }
0xab: {  	_ =	task [dreg:s7], $0x5FFFF  }
0xac: {  	[dreg:$0x1] =	wrdreg $0xFFFFFFFF  }
0xad: {  	[dreg:$0x0] =	wrdreg $0x60  }
0xae: {  	[dreg:$0x2] =	wrdreg s2  }
0xaf: {  	[dreg:$0x3] =	wrdreg s24  }
0xb0: {  	[dreg:$0x4] =	wrdreg $0x90000  }
0xb1: {  	[dreg:$0x5] =	wrdreg $0x9  }
0xb2: {  	_ =	task.clear_ibuf [dreg:s7], $0x6FFFF;
	_ =	strace $0x90000049  }
0xb3: {  	s29 =	simm.s32 $0x9;
	_ =	strace $0x8000004B  }
0xb4: {  	_ =	swait.ge [sflag:s29], $0x1  }
0xb5: {  	[sflag:s29] =	ssyncadd.s32 $0xFFFFFFFF  }
0xb6: {  	_ =	strace $0x9000004B  }
0xb7: {  	_ =	sfence  }
0xb8: {  	s30 =	sld [smem:$0x0];
	_ =	sdelay $0x2  }
0xb9: {  	s31 =	sshll.u32 s1, $0xD;
	s1 =	sshrl.u32 s1, $0x2  }
0xba: {  	s3 =	sand.u32 $0x4000, s31;
	s1 =	sadd.s32 s1, s30  }
0xbb: {  	s0 =	sor.u32 s3, s0;
	s1 =	sshll.u32 s1, $0x11  }
0xbc: {  	s0 =	sor.u32 s1, s0  }
0xbd: {  	s0 =	sadd.s32 $0x8F2B, s0  }
0xbe: {  	[sflag:s0] =	ssyncadd.remote.s32 $0x1  }
0xbf: {  	_ =	sfence.sel $0xFFFF  }
0xc0: {  	[dreg:$0x0] =	wrdreg $0xFFFFFFFF;
	(pc) =	sbr.abs _section_cstart, $3  }
0xc1: {  	[dreg:$0x1] =	wrdreg $0xFFFFFFFF  }
0xc2: {  	_ =	task.clear_ibuf [dreg:s7], $0x2FFFF;
	_ =	strace $0x9FFFFFFF  }
0xc3: {  	(tm) =	ssettm $0x7FFFFFFF  }
tec
execute0_lowered:
.L_overlay_start_1:
0x0: {  	(tag) =	ssettag $0x1  }
0x1: {  	s1 =	rddreg [dreg:$0x0]  }
0x2: {  	s2 =	srdreg.scid;
	s6 =	rddreg [dreg:$0x1]  }
0x3: {  	s0 =	stileid.u32;
	s3 =	rddreg [dreg:$0x2]  }
0x4: {  	s4 =	simm.s32 $0x0;
	s14 =	simm.s32 $0x80;
	s15 =	simm.s32 $0x5000  }
0x5: {  	s16 =	simm.s32 $0x1;
	s17 =	simm.s32 $0x0;
	s8 =	smul.u32 $0x13C00, s0  }
0x6: {  	s5 =	sand.u32 $0x1, s2;
	s26 =	sshll.u32 s0, $0x1;
	s29 =	smul.u32 $0x4F000, s0  }
0x7: {  	[smem:$0x7FF] =	sst s4;
	s2 =	sor.u32 s5, s26;
	s9 =	smul.u32 $0x13C000, s5  }
0x8: {  	s31 =	sshll.u32 s0, $0x6;
	s5 =	ssub.s32 $0x2, s5;
	s7 =	smul.u32 $0x500, s2  }
0x9: {  	s2 =	rddreg [dreg:$0x3];
	_ =	strace $0x8000004A;
	s28 =	sshrl.u32 s8, $0x3  }
0xa: {  	s11 =	sshrl.u32 s5, $0x1;
	s30 =	sshrl.u32 s29, $0x2;
	s8 =	sadd.s32 s8, s9  }
0xb: {  	s11 =	ssub.s32 s5, s11;
	s13 =	sadd.s32 s30, s3;
	s8 =	sshrl.u32 s8, $0x3  }
0xc: {  	s10 =	sadd.s32 s7, s6;
	s7 =	sadd.s32 s28, s6;
	s12 =	sadd.s32 s8, s6  }
0xd: {  	s5 =	sadd.s32 $0x19600, s7;
	s6 =	sor.u32 $0x1C02, s31;
	s7 =	sadd.s32 $0x5600, s10  }
0xe: {  	s8 =	sadd.s32 $0xF600, s10;
	s10 =	smax.u32 s11, $0x1;
	s11 =	sshrl.u32 s13, $0x3  }
0xf: {  	s13 =	simm.s32 $0x2800;
	s9 =	sadd.s32 $0x8FE00, s12;
	s12 =	simm.s32 $0x2  }
.LBB2_1:
0x10: {  	[spmem:s11], [sflag:s6] =	dma.local [hbm:s5], $0x2780  }
0x11: {  	_ =	swait.ge [sflag:s12], $0x2780  }
0x12: {  	[sflag:s12] =	ssyncset.done $0x0  }
0x13: {  	[sflag:s12] =	ssyncadd.s32 $0xFFFFD880  }
0x14: {  	[tilespmem:s4], [sflag:$0x2] =	stream.linear.gather [hbm4b:s7+s4], $0x2800, $0x38;
	[tilespmem:$0x1CC00] =	vst v63  }
0x15: {  	_ =	swait.ge [sflag:s12], $0x2800  }
0x16: {  	[sflag:s12] =	ssyncset.done $0x0  }
0x17: {  	[sflag:s12] =	ssyncadd.s32 $0xFFFFD800  }
0x18: {  	[tilespmem:s13], [sflag:$0x2] =	stream.linear.gather [hbm4b:s8+s4], $0x2800, $0x38;
	[tilespmem:$0x1CC00] =	vst v63  }
0x19: {  	_ =	swait.ge [sflag:s12], $0x2800  }
0x1a: {  	[sflag:s12] =	ssyncset.done $0x0  }
0x1b: {  	[sflag:s12] =	ssyncadd.s32 $0xFFFFD800  }
0x1c: {  	s18 =	simm.s32 $0x0;
	[bflag:$0x0] =	sbarrier.arrive $0xFFFF  }
0x1d: {  	[tilespmem:s15], [sflag:$0x1] =	stream.indirect.gather [hbm4b:s1+s14], $0x80, s18, s14, $0xb8;
	[tilespmem:$0x1CC00] =	vst v63  }
0x1e: {  	_ =	swait.ge [sflag:s16], $0x4000  }
0x1f: {  	[sflag:s16] =	ssyncset.done $0x0  }
0x20: {  	s31 =	simm.s32 $0x2800;
	[sflag:s16] =	ssyncadd.s32 $0xFFFFC000  }
0x21: {  	[spmem:s3] =	stream.indirect.scatter.add.f32 [tilespmem:s15], [sflag:$0x2], $0x80, s31, s14, $0xb8;
	[tilespmem:$0x1CC00] =	vst v63  }
0x22: {  	_ =	swait.ge [sflag:s12], $0x4000  }
0x23: {  	s19 =	simm.s32 $0x400;
	s18 =	simm.s32 $0x200;
	[sflag:s12] =	ssyncset.done $0x0  }
.LBB2_2:
0x24: {  	s20 =	sshra.s32 s18, $0x2  }
0x25: {  	[sflag:s12] =	ssyncadd.s32 $0xFFFFC000;
	s18 =	smov.u32 s19;
	s21 =	sadd.s32 $0x200, s19  }
0x26: {  	[tilespmem:s15], [sflag:$0x1] =	stream.indirect.gather [hbm4b:s1+s14], $0x80, s20, s14, $0xb8;
	[tilespmem:$0x1CC00] =	vst v63  }
0x27: {  	p0 =	sne.s32 s19, $0x9E00;
	_ =	swait.ge [sflag:s16], $0x4000  }
.Ltmp0:
0x28: {  	[sflag:s16] =	ssyncset.done $0x0;
	(pc) =	sbr.rel @p0 .LBB2_2-.Ltmp0, $4  }
0x29: {  	s19 =	sadd.s32 $0x2800, s20;
	[sflag:s16] =	ssyncadd.s32 $0xFFFFC000  }
0x2a: {  	[spmem:s3] =	stream.indirect.scatter.add.f32 [tilespmem:s15], [sflag:$0x2], $0x80, s19, s14, $0xb8;
	[tilespmem:$0x1CC00] =	vst v63  }
0x2b: {  	_ =	swait.ge [sflag:s12], $0x4000  }
0x2c: {  	s19 =	smov.u32 s21;
	[sflag:s12] =	ssyncset.done $0x0  }
0x2d: {  	s18 =	sshra.s32 s18, $0x2;
	[sflag:s12] =	ssyncadd.s32 $0xFFFFC000  }
0x2e: {  	[tilespmem:s15], [sflag:$0x1] =	stream.indirect.gather [hbm4b:s1+s14], $0x80, s18, s14, $0xb8;
	[tilespmem:$0x1CC00] =	vst v63  }
0x2f: {  	_ =	swait.ge [sflag:s16], $0x4000  }
0x30: {  	[sflag:s16] =	ssyncset.done $0x0  }
0x31: {  	s18 =	sadd.s32 $0x2800, s18;
	[sflag:s16] =	ssyncadd.s32 $0xFFFFC000  }
0x32: {  	[spmem:s3] =	stream.indirect.scatter.add.f32 [tilespmem:s15], [sflag:$0x2], $0x80, s18, s14, $0xb8;
	[tilespmem:$0x1CC00] =	vst v63  }
0x33: {  	_ =	swait.ge [sflag:s12], $0x4000  }
0x34: {  	s17 =	sadd.s32 $0x1, s17;
	[sflag:s12] =	ssyncset.done $0x0  }
0x35: {  	p0 =	sne.s32 s17, s10;
	[sflag:s12] =	ssyncadd.s32 $0xFFFFC000  }
.Ltmp1:
0x36: {  	[bflag:$0x0] =	sbarrier.arrive $0xFFFF;
	(pc) =	sbr.rel @p0 .LBB2_1-.Ltmp1, $4  }
0x37: {  	[hbm:s9], [sflag:s6] =	dma.local [spmem:s11], $0x2780  }
0x38: {  	_ =	swait.ge [sflag:s12], $0x2780  }
0x39: {  	[sflag:s12] =	ssyncset.done $0x0  }
0x3a: {  	[sflag:s12] =	ssyncadd.s32 $0xFFFFD880  }
0x3b: {  	_ =	sfence.sel $0x180000  }
0x3c: {  	[bflag:$0x0] =	sbarrier.arrive $0xFFFF  }
0x3d: {  	p0 =	sne.s32 s0, $0x0;
	_ =	strace $0x9000004A  }
0x3e: {  	s0 =	sadd.s32 @!p0 $0x100000, s2;
	[bflag:$0x2] =	sbarrier.arrive $0xFFFF  }
0x3f: {  	[sflag:s0] =	ssyncadd.tile.s32 @!p0 $0x1;
	_ =	shalt  }
.Lfunc_end2:
_tile_overlayer_lowered:
.L_overlay_start_2:
0x40: {  	(tag) =	ssettag $0x2  }
0x41: {  	s0 =	rddreg [dreg:$0x0];
	s2 =	stileid.u32  }
0x42: {  	s1 =	rddreg [dreg:$0x1];
	p0 =	sne.s32 s2, $0x0  }
0x43: {  	s3 =	rddreg [dreg:$0x2];
	[bflag:$0x3] =	sbarrier.arrive $0xFFFF;
	s2 =	simm.s32 @!p0 $0x1C02  }
0x44: {  	[timem:s3], [sflag:s2] =	dma.local @!p0 [hbm:s0], s1  }
0x45: {  	s0 =	simm.s32 @!p0 $0x2  }
0x46: {  	_ =	swait.ge @!p0 [sflag:s0], s1  }
0x47: {  	s1 =	ssub.s32 @!p0 $0x0, s1;
	[sflag:s0] =	ssyncset.done @!p0 $0x0  }
0x48: {  	[sflag:s0] =	ssyncadd.s32 @!p0 s1  }
0x49: {  	[bflag:$0x3] =	sbarrier.arrive $0xFFFF  }
0x4a: {  	_ =	shalt  }

// kernel: kernel.18.cloned.1.call-start
scs
__scs_entry_jumppad:
0x0: {  	(pc) =	sbr.rel $0x88, $3  }
0x1: {  	(tag) =	ssettag $0x0;
	lr =	simm.s32 $0x1  }
0x2: {  	[smem:$0x3F8D] =	sst lr;
	_ =	strace $0xD0000000  }
0x3: {  	_ = 	snop  }
0x4: {  	_ = 	snop  }
0x5: {  	_ = 	snop  }
0x6: {  	_ = 	snop  }
0x7: {  	_ = 	snop  }
__scs_overlays_trampoline_lowered:
0x8: {  	[smem:$0x3F9C] =	sst s0  }
0x9: {  	[smem:$0x3F9D] =	sst s1  }
0xa: {  	[smem:$0x3F9E] =	sst s2  }
0xb: {  	[smem:$0x3F9F] =	sst s3  }
0xc: {  	[smem:$0x3FA0] =	sst s4  }
0xd: {  	[smem:$0x3FA1] =	sst s5  }
0xe: {  	[smem:$0x3FA2] =	sst s6  }
0xf: {  	[smem:$0x3FA3] =	sst s7  }
0x10: {  	[smem:$0x3FA4] =	sst s8  }
0x11: {  	[smem:$0x3FA5] =	sst s9;
	s0 =	simm.s32 @!p0 $0x0  }
0x12: {  	s1 =	sld [smem:$0x3F8B];
	s0 =	simm.s32 @p0 $0x1  }
0x13: {  	[smem:$0x3FA6] =	sst s0;
	s0 =	simm.s32 @!p1 $0x0  }
0x14: {  	s2 =	sld [smem:$0x3F8A];
	s0 =	simm.s32 @p1 $0x1  }
0x15: {  	[smem:$0x3FA7] =	sst s0;
	s0 =	simm.s32 @!p2 $0x0  }
0x16: {  	s3 =	sld [smem:$0x3FDB];
	s0 =	simm.s32 @p2 $0x1  }
0x17: {  	s4 =	simm.s32 $0x1BF5;
	[smem:$0x3FA9] =	sst s0  }
0x18: {  	s0 =	sld [smem:$0x3F8C];
	_ =	swait.ge [sflag:s4], $0x0  }
0x19: {  	s7 =	sld [smem:$0x3F8D]  }
0x1a: {  	s8 =	sadd.s32 $0xFFFFE003, lr  }
0x1b: {  	s9 =	sadd.s32 $0xFFFFFEF7, lr;
	s5 =	simm.s32 $0xFFFFFFFF;
	p2 =	slt.u32 s8, $0xFFFFF086  }
0x1c: {  	p1 =	slt.u32 s9, $0xF7A;
	s5 =	simm.s32 @!p2 $0x0  }
0x1d: {  	s5 =	simm.s32 @p1 $0x1;
	p0 =	seq.s32 s7, s2  }
0x1e: {  	s7 =	smul.u32 @!p0 $0xF7A, s2;
	p2 =	seq.s32 @!p0 s5, $0x0  }
0x1f: {  	s9 =	smul.u32 $0xF7A, s1;
	s8 =	simm.s32 @!p0 $0x1BF5;
	p2 =	por !p2, p0  }
0x20: {  	[sflag:s8] =	ssyncset.s32 @!p0 $0xFFFFF086;
	s6 =	sadd.s32 @!p0 s3, s7;
	s7 =	simm.s32 @!p0 $0x108  }
0x21: {  	s3 =	sadd.s32 s3, s9;
	s6 =	sadd.s32 @!p0 $0x88, s6;
	s7 =	simm.s32 @p2 $0x1082  }
0x22: {  	[simem:s7], [sflag:s8] =	dma.local @!p0 [hbm:s6], $0xF7A  }
0x23: {  	s9 =	sor.u32 $0xD0000000, s2;
	s6 =	simm.s32 $0x108;
	_ =	swait.ge @!p0 [sflag:s8], $0x0  }
0x24: {  	s3 =	sadd.s32 $0x88, s3;
	s6 =	simm.s32 @!p1 $0x1082;
	[sflag:s4] =	ssyncset.s32 $0xFFFFF086  }
0x25: {  	[simem:s6], [sflag:s4] =	dma.local [hbm:s3], $0xF7A  }
0x26: {  	[smem:$0x3F8D] =	sst s1;
	(tag) =	ssettag s2;
	_ =	strace s9  }
0x27: {  	s1 =	sld [smem:$0x3F9D]  }
0x28: {  	s2 =	sld [smem:$0x3F9E]  }
0x29: {  	s4 =	sld [smem:$0x3FA0]  }
0x2a: {  	p0 =	seq.s32 s5, $0x0;
	s5 =	sld [smem:$0x3FA1]  }
0x2b: {  	s6 =	sld [smem:$0x3FA2]  }
0x2c: {  	s7 =	sld [smem:$0x3FA3]  }
0x2d: {  	s3 =	simm.s32 $0x108;
	s8 =	sld [smem:$0x3FA4]  }
0x2e: {  	s3 =	simm.s32 @!p0 $0x1082;
	s9 =	sld [smem:$0x3FA5]  }
0x2f: {  	lr =	sadd.s32 s0, s3;
	s0 =	sld [smem:$0x3F9C]  }
0x30: {  	s3 =	sld [smem:$0x3F9F]  }
0x31: {  	[smem:$0x3FA8] =	sst s10  }
0x32: {  	s10 =	sld [smem:$0x3FA6];
	_ =	sdelay $0x3  }
0x33: {  	p0 =	seq.s32 s10, $0x1;
	s10 =	sld [smem:$0x3FA8];
	_ =	sdelay $0x3  }
0x34: {  	[smem:$0x3FA8] =	sst s10  }
0x35: {  	s10 =	sld [smem:$0x3FA7];
	_ =	sdelay $0x3  }
0x36: {  	p1 =	seq.s32 s10, $0x1;
	s10 =	sld [smem:$0x3FA8];
	_ =	sdelay $0x3  }
0x37: {  	[smem:$0x3FA8] =	sst s10  }
0x38: {  	s10 =	sld [smem:$0x3FA9]  }
0x39: {  	_ = 	snop;
	(pc) =	sbr.ind lr, $3  }
0x3a: {  	_ = 	snop  }
0x3b: {  	_ = 	snop  }
0x3c: {  	p2 =	seq.s32 s10, $0x1;
	s10 =	sld [smem:$0x3FA8]  }
0x3d: {  	_ =	shalt  }
0x3e: {  	_ =	shalt  }
0x3f: {  	_ =	shalt  }
0x40: {  	_ =	shalt  }
0x41: {  	_ =	shalt  }
0x42: {  	_ =	shalt  }
0x43: {  	_ =	shalt  }
0x44: {  	_ =	shalt  }
0x45: {  	_ =	shalt  }
0x46: {  	_ =	shalt  }
0x47: {  	_ =	shalt  }
0x48: {  	_ =	shalt  }
0x49: {  	_ =	shalt  }
0x4a: {  	_ =	shalt  }
0x4b: {  	_ =	shalt  }
0x4c: {  	_ =	shalt  }
0x4d: {  	_ =	shalt  }
0x4e: {  	_ =	shalt  }
0x4f: {  	_ =	shalt  }
0x50: {  	_ =	shalt  }
0x51: {  	_ =	shalt  }
0x52: {  	_ =	shalt  }
0x53: {  	_ =	shalt  }
0x54: {  	_ =	shalt  }
0x55: {  	_ =	shalt  }
0x56: {  	_ =	shalt  }
0x57: {  	_ =	shalt  }
0x58: {  	_ =	shalt  }
0x59: {  	_ =	shalt  }
0x5a: {  	_ =	shalt  }
0x5b: {  	_ =	shalt  }
0x5c: {  	_ =	shalt  }
0x5d: {  	_ =	shalt  }
0x5e: {  	_ =	shalt  }
0x5f: {  	_ =	shalt  }
0x60: {  	_ =	shalt  }
0x61: {  	_ =	shalt  }
0x62: {  	_ =	shalt  }
0x63: {  	_ =	shalt  }
0x64: {  	_ =	shalt  }
0x65: {  	_ =	shalt  }
0x66: {  	_ =	shalt  }
0x67: {  	_ =	shalt  }
0x68: {  	_ =	shalt  }
0x69: {  	_ =	shalt  }
0x6a: {  	_ =	shalt  }
0x6b: {  	_ =	shalt  }
0x6c: {  	_ =	shalt  }
0x6d: {  	_ =	shalt  }
0x6e: {  	_ =	shalt  }
0x6f: {  	_ =	shalt  }
0x70: {  	_ =	shalt  }
0x71: {  	_ =	shalt  }
0x72: {  	_ =	shalt  }
0x73: {  	_ =	shalt  }
0x74: {  	_ =	shalt  }
0x75: {  	_ =	shalt  }
0x76: {  	_ =	shalt  }
0x77: {  	_ =	shalt  }
0x78: {  	_ =	shalt  }
0x79: {  	_ =	shalt  }
0x7a: {  	_ =	shalt  }
0x7b: {  	_ =	shalt  }
0x7c: {  	_ =	shalt  }
0x7d: {  	_ =	shalt  }
0x7e: {  	_ =	shalt  }
0x7f: {  	_ =	shalt  }
0x80: {  	_ =	shalt  }
0x81: {  	_ =	shalt  }
0x82: {  	_ =	shalt  }
0x83: {  	_ =	shalt  }
0x84: {  	_ =	shalt  }
0x85: {  	_ =	shalt  }
0x86: {  	_ =	shalt  }
0x87: {  	_ =	shalt  }
.Lfunc_end0:
.L_simem_size_0:
called_computation.2_lowered:
.L_overlay_start_0:
0x88: {  	s2 =	sld [smem:$0x3FD9]  }
0x89: {  	s3 =	sld [smem:$0x3FFE];
	_ =	sdelay $0x1  }
0x8a: {  	s1 =	srdreg.scid  }
0x8b: {  	s0 =	sand.u32 $0x1, s1  }
0x8c: {  	s17 =	sshll.u32 s0, $0xA;
	s2 =	sadd.s32 s3, s2  }
0x8d: {  	s2 =	sadd.s32 s2, s17  }
0x8e: {  	[smem:$0x3FB4] =	sst s2  }
0x8f: {  	_ = 	snop  }
0x90: {  	s2 =	sld [smem:$0x3FD0];
	(tm) =	ssettm $0x1  }
0x91: {  	s18 =	sld [smem:$0x3FFB];
	_ =	sdelay $0x3  }
0x92: {  	_ =	strace s18  }
0x93: {  	s3 =	sld [smem:$0x3FFC];
	_ =	sdelay $0x3  }
0x94: {  	_ =	strace s3  }
0x95: {  	s3 =	sld [smem:$0x3FFD];
	_ =	sdelay $0x3  }
0x96: {  	_ =	strace s3  }
0x97: {  	_ =	strace $0x8FFFFFFF  }
0x98: {  	s19 =	sld [smem:$0x3FDB];
	_ =	sdelay $0x1  }
0x99: {  	s4 =	simm.s32 $_scs_section_size  }
0x9a: {  	s5 =	simm.s32 $_size__tile_overlayer_lowered;
	s6 =	simm.s32 $_tile_overlayer_lowered  }
0x9b: {  	s22 =	simm.s32 $0x1BFF;
	s21 =	sshll.u32 s6, $0x1;
	s3 =	sadd.s32 s4, s19  }
0x9c: {  	s7 =	simm.s32 $0x0;
	s20 =	sshll.u32 s5, $0x1;
	s5 =	sadd.s32 s21, s3  }
0x9d: {  	[timem:s7], [sflag:s22] =	dma.local [hbm:s5], s20  }
0x9e: {  	_ =	swait.ge [sflag:s22], s20  }
0x9f: {  	s4 =	ssub.s32 $0x0, s20;
	[sflag:s22] =	ssyncset.done $0x0  }
0xa0: {  	[sflag:s22] =	ssyncadd.s32 s4;
	_ =	sdelay $0x1  }
0xa1: {  	s23 =	simm.s32 $0x1B8B  }
0xa2: {  	_ =	swait.ge [sflag:s23], $0x1  }
0xa3: {  	[sflag:s23] =	ssyncset.done $0x0  }
0xa4: {  	s25 =	simm.s32 $0x1B8E;
	s24 =	sld [smem:$0x3FFE];
	[sflag:s23] =	ssyncadd.s32 $0xFFFFFFFF  }
0xa5: {  	s26 =	simm.s32 $execute0_lowered;
	[smem:$0x3FD2] =	sst s25  }
0xa6: {  	s5 =	sshll.u32 s26, $0x1;
	_ =	strace $0x8000004C;
	[dreg:$0x1] =	wrdreg $0xFFFFFFFF  }
0xa7: {  	s28 =	simm.s32 $_size_execute0_lowered;
	s3 =	sadd.s32 s3, s5;
	[dreg:$0x0] =	wrdreg $0x0  }
0xa8: {  	s5 =	sshll.u32 s28, $0x1;
	[dreg:$0x2] =	wrdreg s3  }
0xa9: {  	[dreg:$0x3] =	wrdreg s5  }
0xaa: {  	[dreg:$0x4] =	wrdreg $0xC0  }
0xab: {  	_ =	task [dreg:s7], $0x5FFFF  }
0xac: {  	[dreg:$0x1] =	wrdreg $0xFFFFFFFF  }
0xad: {  	[dreg:$0x0] =	wrdreg $0x60  }
0xae: {  	[dreg:$0x2] =	wrdreg s2  }
0xaf: {  	[dreg:$0x3] =	wrdreg s24  }
0xb0: {  	[dreg:$0x4] =	wrdreg $0x90000  }
0xb1: {  	[dreg:$0x5] =	wrdreg $0x9  }
0xb2: {  	_ =	task.clear_ibuf [dreg:s7], $0x6FFFF;
	_ =	strace $0x9000004C  }
0xb3: {  	s29 =	simm.s32 $0x9;
	_ =	strace $0x8000004E  }
0xb4: {  	_ =	swait.ge [sflag:s29], $0x1  }
0xb5: {  	[sflag:s29] =	ssyncadd.s32 $0xFFFFFFFF  }
0xb6: {  	_ =	strace $0x9000004E  }
0xb7: {  	_ =	sfence  }
0xb8: {  	s30 =	sld [smem:$0x0];
	_ =	sdelay $0x2  }
0xb9: {  	s31 =	sshll.u32 s1, $0xD;
	s1 =	sshrl.u32 s1, $0x2  }
0xba: {  	s3 =	sand.u32 $0x4000, s31;
	s1 =	sadd.s32 s1, s30  }
0xbb: {  	s0 =	sor.u32 s3, s0;
	s1 =	sshll.u32 s1, $0x11  }
0xbc: {  	s0 =	sor.u32 s1, s0  }
0xbd: {  	s0 =	sadd.s32 $0x8F2B, s0  }
0xbe: {  	[sflag:s0] =	ssyncadd.remote.s32 $0x1  }
0xbf: {  	_ =	sfence.sel $0xFFFF  }
0xc0: {  	[dreg:$0x0] =	wrdreg $0xFFFFFFFF;
	(pc) =	sbr.abs _section_cstart, $3  }
0xc1: {  	[dreg:$0x1] =	wrdreg $0xFFFFFFFF  }
0xc2: {  	_ =	task.clear_ibuf [dreg:s7], $0x2FFFF;
	_ =	strace $0x9FFFFFFF  }
0xc3: {  	(tm) =	ssettm $0x7FFFFFFF  }
tec
execute0_lowered:
.L_overlay_start_1:
0x0: {  	(tag) =	ssettag $0x1  }
0x1: {  	s1 =	rddreg [dreg:$0x0]  }
0x2: {  	s2 =	srdreg.scid;
	s6 =	rddreg [dreg:$0x1]  }
0x3: {  	s0 =	stileid.u32;
	s3 =	rddreg [dreg:$0x2]  }
0x4: {  	s4 =	simm.s32 $0x0;
	s14 =	simm.s32 $0x80;
	s15 =	simm.s32 $0x5000  }
0x5: {  	s16 =	simm.s32 $0x1;
	s17 =	simm.s32 $0x0;
	s8 =	smul.u32 $0x13C00, s0  }
0x6: {  	s5 =	sand.u32 $0x1, s2;
	s26 =	sshll.u32 s0, $0x1;
	s29 =	smul.u32 $0x4F000, s0  }
0x7: {  	[smem:$0x7FF] =	sst s4;
	s2 =	sor.u32 s5, s26;
	s9 =	smul.u32 $0x13C000, s5  }
0x8: {  	s31 =	sshll.u32 s0, $0x6;
	s5 =	ssub.s32 $0x2, s5;
	s7 =	smul.u32 $0x500, s2  }
0x9: {  	s2 =	rddreg [dreg:$0x3];
	_ =	strace $0x8000004D;
	s28 =	sshrl.u32 s8, $0x3  }
0xa: {  	s11 =	sshrl.u32 s5, $0x1;
	s30 =	sshrl.u32 s29, $0x2;
	s8 =	sadd.s32 s8, s9  }
0xb: {  	s11 =	ssub.s32 s5, s11;
	s13 =	sadd.s32 s30, s3;
	s8 =	sshrl.u32 s8, $0x3  }
0xc: {  	s10 =	sadd.s32 s7, s6;
	s7 =	sadd.s32 s28, s6;
	s12 =	sadd.s32 s8, s6  }
0xd: {  	s5 =	sadd.s32 $0x19600, s7;
	s6 =	sor.u32 $0x1C02, s31;
	s7 =	sadd.s32 $0x5600, s10  }
0xe: {  	s8 =	sadd.s32 $0xF600, s10;
	s10 =	smax.u32 s11, $0x1;
	s11 =	sshrl.u32 s13, $0x3  }
0xf: {  	s13 =	simm.s32 $0x2800;
	s9 =	sadd.s32 $0x8FE00, s12;
	s12 =	simm.s32 $0x2  }
.LBB2_1:
0x10: {  	[spmem:s11], [sflag:s6] =	dma.local [hbm:s5], $0x2780  }
0x11: {  	_ =	swait.ge [sflag:s12], $0x2780  }
0x12: {  	[sflag:s12] =	ssyncset.done $0x0  }
0x13: {  	[sflag:s12] =	ssyncadd.s32 $0xFFFFD880  }
0x14: {  	[tilespmem:s4], [sflag:$0x2] =	stream.linear.gather [hbm4b:s7+s4], $0x2800, $0x38;
	[tilespmem:$0x1CC00] =	vst v63  }
0x15: {  	_ =	swait.ge [sflag:s12], $0x2800  }
0x16: {  	[sflag:s12] =	ssyncset.done $0x0  }
0x17: {  	[sflag:s12] =	ssyncadd.s32 $0xFFFFD800  }
0x18: {  	[tilespmem:s13], [sflag:$0x2] =	stream.linear.gather [hbm4b:s8+s4], $0x2800, $0x38;
	[tilespmem:$0x1CC00] =	vst v63  }
0x19: {  	_ =	swait.ge [sflag:s12], $0x2800  }
0x1a: {  	[sflag:s12] =	ssyncset.done $0x0  }
0x1b: {  	[sflag:s12] =	ssyncadd.s32 $0xFFFFD800  }
0x1c: {  	s18 =	simm.s32 $0x0;
	[bflag:$0x0] =	sbarrier.arrive $0xFFFF  }
0x1d: {  	[tilespmem:s15], [sflag:$0x1] =	stream.indirect.gather [hbm4b:s1+s14], $0x80, s18, s14, $0xb8;
	[tilespmem:$0x1CC00] =	vst v63  }
0x1e: {  	_ =	swait.ge [sflag:s16], $0x4000  }
0x1f: {  	[sflag:s16] =	ssyncset.done $0x0  }
0x20: {  	s31 =	simm.s32 $0x2800;
	[sflag:s16] =	ssyncadd.s32 $0xFFFFC000  }
0x21: {  	[spmem:s3] =	stream.indirect.scatter.add.f32 [tilespmem:s15], [sflag:$0x2], $0x80, s31, s14, $0xb8;
	[tilespmem:$0x1CC00] =	vst v63  }
0x22: {  	_ =	swait.ge [sflag:s12], $0x4000  }
0x23: {  	s19 =	simm.s32 $0x400;
	s18 =	simm.s32 $0x200;
	[sflag:s12] =	ssyncset.done $0x0  }
.LBB2_2:
0x24: {  	s20 =	sshra.s32 s18, $0x2  }
0x25: {  	[sflag:s12] =	ssyncadd.s32 $0xFFFFC000;
	s18 =	smov.u32 s19;
	s21 =	sadd.s32 $0x200, s19  }
0x26: {  	[tilespmem:s15], [sflag:$0x1] =	stream.indirect.gather [hbm4b:s1+s14], $0x80, s20, s14, $0xb8;
	[tilespmem:$0x1CC00] =	vst v63  }
0x27: {  	p0 =	sne.s32 s19, $0x9E00;
	_ =	swait.ge [sflag:s16], $0x4000  }
.Ltmp0:
0x28: {  	[sflag:s16] =	ssyncset.done $0x0;
	(pc) =	sbr.rel @p0 .LBB2_2-.Ltmp0, $4  }
0x29: {  	s19 =	sadd.s32 $0x2800, s20;
	[sflag:s16] =	ssyncadd.s32 $0xFFFFC000  }
0x2a: {  	[spmem:s3] =	stream.indirect.scatter.add.f32 [tilespmem:s15], [sflag:$0x2], $0x80, s19, s14, $0xb8;
	[tilespmem:$0x1CC00] =	vst v63  }
0x2b: {  	_ =	swait.ge [sflag:s12], $0x4000  }
0x2c: {  	s19 =	smov.u32 s21;
	[sflag:s12] =	ssyncset.done $0x0  }
0x2d: {  	s18 =	sshra.s32 s18, $0x2;
	[sflag:s12] =	ssyncadd.s32 $0xFFFFC000  }
0x2e: {  	[tilespmem:s15], [sflag:$0x1] =	stream.indirect.gather [hbm4b:s1+s14], $0x80, s18, s14, $0xb8;
	[tilespmem:$0x1CC00] =	vst v63  }
0x2f: {  	_ =	swait.ge [sflag:s16], $0x4000  }
0x30: {  	[sflag:s16] =	ssyncset.done $0x0  }
0x31: {  	s18 =	sadd.s32 $0x2800, s18;
	[sflag:s16] =	ssyncadd.s32 $0xFFFFC000  }
0x32: {  	[spmem:s3] =	stream.indirect.scatter.add.f32 [tilespmem:s15], [sflag:$0x2], $0x80, s18, s14, $0xb8;
	[tilespmem:$0x1CC00] =	vst v63  }
0x33: {  	_ =	swait.ge [sflag:s12], $0x4000  }
0x34: {  	s17 =	sadd.s32 $0x1, s17;
	[sflag:s12] =	ssyncset.done $0x0  }
0x35: {  	p0 =	sne.s32 s17, s10;
	[sflag:s12] =	ssyncadd.s32 $0xFFFFC000  }
.Ltmp1:
0x36: {  	[bflag:$0x0] =	sbarrier.arrive $0xFFFF;
	(pc) =	sbr.rel @p0 .LBB2_1-.Ltmp1, $4  }
0x37: {  	[hbm:s9], [sflag:s6] =	dma.local [spmem:s11], $0x2780  }
0x38: {  	_ =	swait.ge [sflag:s12], $0x2780  }
0x39: {  	[sflag:s12] =	ssyncset.done $0x0  }
0x3a: {  	[sflag:s12] =	ssyncadd.s32 $0xFFFFD880  }
0x3b: {  	_ =	sfence.sel $0x180000  }
0x3c: {  	[bflag:$0x0] =	sbarrier.arrive $0xFFFF  }
0x3d: {  	p0 =	sne.s32 s0, $0x0;
	_ =	strace $0x9000004D  }
0x3e: {  	s0 =	sadd.s32 @!p0 $0x100000, s2;
	[bflag:$0x2] =	sbarrier.arrive $0xFFFF  }
0x3f: {  	[sflag:s0] =	ssyncadd.tile.s32 @!p0 $0x1;
	_ =	shalt  }
.Lfunc_end2:
_tile_overlayer_lowered:
.L_overlay_start_2:
0x40: {  	(tag) =	ssettag $0x2  }
0x41: {  	s0 =	rddreg [dreg:$0x0];
	s2 =	stileid.u32  }
0x42: {  	s1 =	rddreg [dreg:$0x1];
	p0 =	sne.s32 s2, $0x0  }
0x43: {  	s3 =	rddreg [dreg:$0x2];
	[bflag:$0x3] =	sbarrier.arrive $0xFFFF;
	s2 =	simm.s32 @!p0 $0x1C02  }
0x44: {  	[timem:s3], [sflag:s2] =	dma.local @!p0 [hbm:s0], s1  }
0x45: {  	s0 =	simm.s32 @!p0 $0x2  }
0x46: {  	_ =	swait.ge @!p0 [sflag:s0], s1  }
0x47: {  	s1 =	ssub.s32 @!p0 $0x0, s1;
	[sflag:s0] =	ssyncset.done @!p0 $0x0  }
0x48: {  	[sflag:s0] =	ssyncadd.s32 @!p0 s1  }
0x49: {  	[bflag:$0x3] =	sbarrier.arrive $0xFFFF  }
0x4a: {  	_ =	shalt  }

// kernel: kernel.21.cloned.1.call-start
scs
__scs_entry_jumppad:
0x0: {  	(pc) =	sbr.rel $0x88, $3  }
0x1: {  	(tag) =	ssettag $0x0;
	lr =	simm.s32 $0x1  }
0x2: {  	[smem:$0x3F8D] =	sst lr;
	_ =	strace $0xD0000000  }
0x3: {  	_ = 	snop  }
0x4: {  	_ = 	snop  }
0x5: {  	_ = 	snop  }
0x6: {  	_ = 	snop  }
0x7: {  	_ = 	snop  }
__scs_overlays_trampoline_lowered:
0x8: {  	[smem:$0x3F9C] =	sst s0  }
0x9: {  	[smem:$0x3F9D] =	sst s1  }
0xa: {  	[smem:$0x3F9E] =	sst s2  }
0xb: {  	[smem:$0x3F9F] =	sst s3  }
0xc: {  	[smem:$0x3FA0] =	sst s4  }
0xd: {  	[smem:$0x3FA1] =	sst s5  }
0xe: {  	[smem:$0x3FA2] =	sst s6  }
0xf: {  	[smem:$0x3FA3] =	sst s7  }
0x10: {  	[smem:$0x3FA4] =	sst s8  }
0x11: {  	[smem:$0x3FA5] =	sst s9;
	s0 =	simm.s32 @!p0 $0x0  }
0x12: {  	s1 =	sld [smem:$0x3F8B];
	s0 =	simm.s32 @p0 $0x1  }
0x13: {  	[smem:$0x3FA6] =	sst s0;
	s0 =	simm.s32 @!p1 $0x0  }
0x14: {  	s2 =	sld [smem:$0x3F8A];
	s0 =	simm.s32 @p1 $0x1  }
0x15: {  	[smem:$0x3FA7] =	sst s0;
	s0 =	simm.s32 @!p2 $0x0  }
0x16: {  	s3 =	sld [smem:$0x3FDB];
	s0 =	simm.s32 @p2 $0x1  }
0x17: {  	s4 =	simm.s32 $0x1BF5;
	[smem:$0x3FA9] =	sst s0  }
0x18: {  	s0 =	sld [smem:$0x3F8C];
	_ =	swait.ge [sflag:s4], $0x0  }
0x19: {  	s7 =	sld [smem:$0x3F8D]  }
0x1a: {  	s8 =	sadd.s32 $0xFFFFE003, lr  }
0x1b: {  	s9 =	sadd.s32 $0xFFFFFEF7, lr;
	s5 =	simm.s32 $0xFFFFFFFF;
	p2 =	slt.u32 s8, $0xFFFFF086  }
0x1c: {  	p1 =	slt.u32 s9, $0xF7A;
	s5 =	simm.s32 @!p2 $0x0  }
0x1d: {  	s5 =	simm.s32 @p1 $0x1;
	p0 =	seq.s32 s7, s2  }
0x1e: {  	s7 =	smul.u32 @!p0 $0xF7A, s2;
	p2 =	seq.s32 @!p0 s5, $0x0  }
0x1f: {  	s9 =	smul.u32 $0xF7A, s1;
	s8 =	simm.s32 @!p0 $0x1BF5;
	p2 =	por !p2, p0  }
0x20: {  	[sflag:s8] =	ssyncset.s32 @!p0 $0xFFFFF086;
	s6 =	sadd.s32 @!p0 s3, s7;
	s7 =	simm.s32 @!p0 $0x108  }
0x21: {  	s3 =	sadd.s32 s3, s9;
	s6 =	sadd.s32 @!p0 $0x88, s6;
	s7 =	simm.s32 @p2 $0x1082  }
0x22: {  	[simem:s7], [sflag:s8] =	dma.local @!p0 [hbm:s6], $0xF7A  }
0x23: {  	s9 =	sor.u32 $0xD0000000, s2;
	s6 =	simm.s32 $0x108;
	_ =	swait.ge @!p0 [sflag:s8], $0x0  }
0x24: {  	s3 =	sadd.s32 $0x88, s3;
	s6 =	simm.s32 @!p1 $0x1082;
	[sflag:s4] =	ssyncset.s32 $0xFFFFF086  }
0x25: {  	[simem:s6], [sflag:s4] =	dma.local [hbm:s3], $0xF7A  }
0x26: {  	[smem:$0x3F8D] =	sst s1;
	(tag) =	ssettag s2;
	_ =	strace s9  }
0x27: {  	s1 =	sld [smem:$0x3F9D]  }
0x28: {  	s2 =	sld [smem:$0x3F9E]  }
0x29: {  	s4 =	sld [smem:$0x3FA0]  }
0x2a: {  	p0 =	seq.s32 s5, $0x0;
	s5 =	sld [smem:$0x3FA1]  }
0x2b: {  	s6 =	sld [smem:$0x3FA2]  }
0x2c: {  	s7 =	sld [smem:$0x3FA3]  }
0x2d: {  	s3 =	simm.s32 $0x108;
	s8 =	sld [smem:$0x3FA4]  }
0x2e: {  	s3 =	simm.s32 @!p0 $0x1082;
	s9 =	sld [smem:$0x3FA5]  }
0x2f: {  	lr =	sadd.s32 s0, s3;
	s0 =	sld [smem:$0x3F9C]  }
0x30: {  	s3 =	sld [smem:$0x3F9F]  }
0x31: {  	[smem:$0x3FA8] =	sst s10  }
0x32: {  	s10 =	sld [smem:$0x3FA6];
	_ =	sdelay $0x3  }
0x33: {  	p0 =	seq.s32 s10, $0x1;
	s10 =	sld [smem:$0x3FA8];
	_ =	sdelay $0x3  }
0x34: {  	[smem:$0x3FA8] =	sst s10  }
0x35: {  	s10 =	sld [smem:$0x3FA7];
	_ =	sdelay $0x3  }
0x36: {  	p1 =	seq.s32 s10, $0x1;
	s10 =	sld [smem:$0x3FA8];
	_ =	sdelay $0x3  }
0x37: {  	[smem:$0x3FA8] =	sst s10  }
0x38: {  	s10 =	sld [smem:$0x3FA9]  }
0x39: {  	_ = 	snop;
	(pc) =	sbr.ind lr, $3  }
0x3a: {  	_ = 	snop  }
0x3b: {  	_ = 	snop  }
0x3c: {  	p2 =	seq.s32 s10, $0x1;
	s10 =	sld [smem:$0x3FA8]  }
0x3d: {  	_ =	shalt  }
0x3e: {  	_ =	shalt  }
0x3f: {  	_ =	shalt  }
0x40: {  	_ =	shalt  }
0x41: {  	_ =	shalt  }
0x42: {  	_ =	shalt  }
0x43: {  	_ =	shalt  }
0x44: {  	_ =	shalt  }
0x45: {  	_ =	shalt  }
0x46: {  	_ =	shalt  }
0x47: {  	_ =	shalt  }
0x48: {  	_ =	shalt  }
0x49: {  	_ =	shalt  }
0x4a: {  	_ =	shalt  }
0x4b: {  	_ =	shalt  }
0x4c: {  	_ =	shalt  }
0x4d: {  	_ =	shalt  }
0x4e: {  	_ =	shalt  }
0x4f: {  	_ =	shalt  }
0x50: {  	_ =	shalt  }
0x51: {  	_ =	shalt  }
0x52: {  	_ =	shalt  }
0x53: {  	_ =	shalt  }
0x54: {  	_ =	shalt  }
0x55: {  	_ =	shalt  }
0x56: {  	_ =	shalt  }
0x57: {  	_ =	shalt  }
0x58: {  	_ =	shalt  }
0x59: {  	_ =	shalt  }
0x5a: {  	_ =	shalt  }
0x5b: {  	_ =	shalt  }
0x5c: {  	_ =	shalt  }
0x5d: {  	_ =	shalt  }
0x5e: {  	_ =	shalt  }
0x5f: {  	_ =	shalt  }
0x60: {  	_ =	shalt  }
0x61: {  	_ =	shalt  }
0x62: {  	_ =	shalt  }
0x63: {  	_ =	shalt  }
0x64: {  	_ =	shalt  }
0x65: {  	_ =	shalt  }
0x66: {  	_ =	shalt  }
0x67: {  	_ =	shalt  }
0x68: {  	_ =	shalt  }
0x69: {  	_ =	shalt  }
0x6a: {  	_ =	shalt  }
0x6b: {  	_ =	shalt  }
0x6c: {  	_ =	shalt  }
0x6d: {  	_ =	shalt  }
0x6e: {  	_ =	shalt  }
0x6f: {  	_ =	shalt  }
0x70: {  	_ =	shalt  }
0x71: {  	_ =	shalt  }
0x72: {  	_ =	shalt  }
0x73: {  	_ =	shalt  }
0x74: {  	_ =	shalt  }
0x75: {  	_ =	shalt  }
0x76: {  	_ =	shalt  }
0x77: {  	_ =	shalt  }
0x78: {  	_ =	shalt  }
0x79: {  	_ =	shalt  }
0x7a: {  	_ =	shalt  }
0x7b: {  	_ =	shalt  }
0x7c: {  	_ =	shalt  }
0x7d: {  	_ =	shalt  }
0x7e: {  	_ =	shalt  }
0x7f: {  	_ =	shalt  }
0x80: {  	_ =	shalt  }
0x81: {  	_ =	shalt  }
0x82: {  	_ =	shalt  }
0x83: {  	_ =	shalt  }
0x84: {  	_ =	shalt  }
0x85: {  	_ =	shalt  }
0x86: {  	_ =	shalt  }
0x87: {  	_ =	shalt  }
.Lfunc_end0:
.L_simem_size_0:
called_computation.3_lowered:
.L_overlay_start_0:
0x88: {  	s2 =	sld [smem:$0x3FD9]  }
0x89: {  	s3 =	sld [smem:$0x3FFE];
	_ =	sdelay $0x1  }
0x8a: {  	s1 =	srdreg.scid  }
0x8b: {  	s0 =	sand.u32 $0x1, s1  }
0x8c: {  	s17 =	sshll.u32 s0, $0xA;
	s2 =	sadd.s32 s3, s2  }
0x8d: {  	s2 =	sadd.s32 s2, s17  }
0x8e: {  	[smem:$0x3FB4] =	sst s2  }
0x8f: {  	_ = 	snop  }
0x90: {  	s2 =	sld [smem:$0x3FD0];
	(tm) =	ssettm $0x1  }
0x91: {  	s18 =	sld [smem:$0x3FFB];
	_ =	sdelay $0x3  }
0x92: {  	_ =	strace s18  }
0x93: {  	s3 =	sld [smem:$0x3FFC];
	_ =	sdelay $0x3  }
0x94: {  	_ =	strace s3  }
0x95: {  	s3 =	sld [smem:$0x3FFD];
	_ =	sdelay $0x3  }
0x96: {  	_ =	strace s3  }
0x97: {  	_ =	strace $0x8FFFFFFF  }
0x98: {  	s19 =	sld [smem:$0x3FDB];
	_ =	sdelay $0x1  }
0x99: {  	s4 =	simm.s32 $_scs_section_size  }
0x9a: {  	s5 =	simm.s32 $_size__tile_overlayer_lowered;
	s6 =	simm.s32 $_tile_overlayer_lowered  }
0x9b: {  	s22 =	simm.s32 $0x1BFF;
	s21 =	sshll.u32 s6, $0x1;
	s3 =	sadd.s32 s4, s19  }
0x9c: {  	s7 =	simm.s32 $0x0;
	s20 =	sshll.u32 s5, $0x1;
	s5 =	sadd.s32 s21, s3  }
0x9d: {  	[timem:s7], [sflag:s22] =	dma.local [hbm:s5], s20  }
0x9e: {  	_ =	swait.ge [sflag:s22], s20  }
0x9f: {  	s4 =	ssub.s32 $0x0, s20;
	[sflag:s22] =	ssyncset.done $0x0  }
0xa0: {  	[sflag:s22] =	ssyncadd.s32 s4;
	_ =	sdelay $0x1  }
0xa1: {  	s23 =	simm.s32 $0x1B8B  }
0xa2: {  	_ =	swait.ge [sflag:s23], $0x1  }
0xa3: {  	[sflag:s23] =	ssyncset.done $0x0  }
0xa4: {  	s25 =	simm.s32 $0x1B8E;
	s24 =	sld [smem:$0x3FFE];
	[sflag:s23] =	ssyncadd.s32 $0xFFFFFFFF  }
0xa5: {  	s26 =	simm.s32 $execute0_lowered;
	[smem:$0x3FD2] =	sst s25  }
0xa6: {  	s5 =	sshll.u32 s26, $0x1;
	_ =	strace $0x8000004F;
	[dreg:$0x1] =	wrdreg $0xFFFFFFFF  }
0xa7: {  	s28 =	simm.s32 $_size_execute0_lowered;
	s3 =	sadd.s32 s3, s5;
	[dreg:$0x0] =	wrdreg $0x0  }
0xa8: {  	s5 =	sshll.u32 s28, $0x1;
	[dreg:$0x2] =	wrdreg s3  }
0xa9: {  	[dreg:$0x3] =	wrdreg s5  }
0xaa: {  	[dreg:$0x4] =	wrdreg $0xC0  }
0xab: {  	_ =	task [dreg:s7], $0x5FFFF  }
0xac: {  	[dreg:$0x1] =	wrdreg $0xFFFFFFFF  }
0xad: {  	[dreg:$0x0] =	wrdreg $0x60  }
0xae: {  	[dreg:$0x2] =	wrdreg s2  }
0xaf: {  	[dreg:$0x3] =	wrdreg s24  }
0xb0: {  	[dreg:$0x4] =	wrdreg $0x90000  }
0xb1: {  	[dreg:$0x5] =	wrdreg $0x9  }
0xb2: {  	_ =	task.clear_ibuf [dreg:s7], $0x6FFFF;
	_ =	strace $0x9000004F  }
0xb3: {  	s29 =	simm.s32 $0x9;
	_ =	strace $0x80000051  }
0xb4: {  	_ =	swait.ge [sflag:s29], $0x1  }
0xb5: {  	[sflag:s29] =	ssyncadd.s32 $0xFFFFFFFF  }
0xb6: {  	_ =	strace $0x90000051  }
0xb7: {  	_ =	sfence  }
0xb8: {  	s30 =	sld [smem:$0x0];
	_ =	sdelay $0x2  }
0xb9: {  	s31 =	sshll.u32 s1, $0xD;
	s1 =	sshrl.u32 s1, $0x2  }
0xba: {  	s3 =	sand.u32 $0x4000, s31;
	s1 =	sadd.s32 s1, s30  }
0xbb: {  	s0 =	sor.u32 s3, s0;
	s1 =	sshll.u32 s1, $0x11  }
0xbc: {  	s0 =	sor.u32 s1, s0  }
0xbd: {  	s0 =	sadd.s32 $0x8F2B, s0  }
0xbe: {  	[sflag:s0] =	ssyncadd.remote.s32 $0x1  }
0xbf: {  	_ =	sfence.sel $0xFFFF  }
0xc0: {  	[dreg:$0x0] =	wrdreg $0xFFFFFFFF;
	(pc) =	sbr.abs _section_cstart, $3  }
0xc1: {  	[dreg:$0x1] =	wrdreg $0xFFFFFFFF  }
0xc2: {  	_ =	task.clear_ibuf [dreg:s7], $0x2FFFF;
	_ =	strace $0x9FFFFFFF  }
0xc3: {  	(tm) =	ssettm $0x7FFFFFFF  }
tec
execute0_lowered:
.L_overlay_start_1:
0x0: {  	(tag) =	ssettag $0x1  }
0x1: {  	s1 =	rddreg [dreg:$0x0]  }
0x2: {  	s2 =	srdreg.scid;
	s6 =	rddreg [dreg:$0x1]  }
0x3: {  	s0 =	stileid.u32;
	s3 =	rddreg [dreg:$0x2]  }
0x4: {  	s4 =	simm.s32 $0x0;
	s14 =	simm.s32 $0x80;
	s15 =	simm.s32 $0x5000  }
0x5: {  	s16 =	simm.s32 $0x1;
	s17 =	simm.s32 $0x0;
	s8 =	smul.u32 $0x13C00, s0  }
0x6: {  	s5 =	sand.u32 $0x1, s2;
	s26 =	sshll.u32 s0, $0x1;
	s29 =	smul.u32 $0x4F000, s0  }
0x7: {  	[smem:$0x7FF] =	sst s4;
	s2 =	sor.u32 s5, s26;
	s9 =	smul.u32 $0x13C000, s5  }
0x8: {  	s31 =	sshll.u32 s0, $0x6;
	s5 =	ssub.s32 $0x2, s5;
	s7 =	smul.u32 $0x500, s2  }
0x9: {  	s2 =	rddreg [dreg:$0x3];
	_ =	strace $0x80000050;
	s28 =	sshrl.u32 s8, $0x3  }
0xa: {  	s11 =	sshrl.u32 s5, $0x1;
	s30 =	sshrl.u32 s29, $0x2;
	s8 =	sadd.s32 s8, s9  }
0xb: {  	s11 =	ssub.s32 s5, s11;
	s13 =	sadd.s32 s30, s3;
	s8 =	sshrl.u32 s8, $0x3  }
0xc: {  	s10 =	sadd.s32 s7, s6;
	s7 =	sadd.s32 s28, s6;
	s12 =	sadd.s32 s8, s6  }
0xd: {  	s5 =	sadd.s32 $0x19600, s7;
	s6 =	sor.u32 $0x1C02, s31;
	s7 =	sadd.s32 $0x5600, s10  }
0xe: {  	s8 =	sadd.s32 $0xF600, s10;
	s10 =	smax.u32 s11, $0x1;
	s11 =	sshrl.u32 s13, $0x3  }
0xf: {  	s13 =	simm.s32 $0x2800;
	s9 =	sadd.s32 $0x8FE00, s12;
	s12 =	simm.s32 $0x2  }
.LBB2_1:
0x10: {  	[spmem:s11], [sflag:s6] =	dma.local [hbm:s5], $0x2780  }
0x11: {  	_ =	swait.ge [sflag:s12], $0x2780  }
0x12: {  	[sflag:s12] =	ssyncset.done $0x0  }
0x13: {  	[sflag:s12] =	ssyncadd.s32 $0xFFFFD880  }
0x14: {  	[tilespmem:s4], [sflag:$0x2] =	stream.linear.gather [hbm4b:s7+s4], $0x2800, $0x38;
	[tilespmem:$0x1CC00] =	vst v63  }
0x15: {  	_ =	swait.ge [sflag:s12], $0x2800  }
0x16: {  	[sflag:s12] =	ssyncset.done $0x0  }
0x17: {  	[sflag:s12] =	ssyncadd.s32 $0xFFFFD800  }
0x18: {  	[tilespmem:s13], [sflag:$0x2] =	stream.linear.gather [hbm4b:s8+s4], $0x2800, $0x38;
	[tilespmem:$0x1CC00] =	vst v63  }
0x19: {  	_ =	swait.ge [sflag:s12], $0x2800  }
0x1a: {  	[sflag:s12] =	ssyncset.done $0x0  }
0x1b: {  	[sflag:s12] =	ssyncadd.s32 $0xFFFFD800  }
0x1c: {  	s18 =	simm.s32 $0x0;
	[bflag:$0x0] =	sbarrier.arrive $0xFFFF  }
0x1d: {  	[tilespmem:s15], [sflag:$0x1] =	stream.indirect.gather [hbm4b:s1+s14], $0x80, s18, s14, $0xb8;
	[tilespmem:$0x1CC00] =	vst v63  }
0x1e: {  	_ =	swait.ge [sflag:s16], $0x4000  }
0x1f: {  	[sflag:s16] =	ssyncset.done $0x0  }
0x20: {  	s31 =	simm.s32 $0x2800;
	[sflag:s16] =	ssyncadd.s32 $0xFFFFC000  }
0x21: {  	[spmem:s3] =	stream.indirect.scatter.add.f32 [tilespmem:s15], [sflag:$0x2], $0x80, s31, s14, $0xb8;
	[tilespmem:$0x1CC00] =	vst v63  }
0x22: {  	_ =	swait.ge [sflag:s12], $0x4000  }
0x23: {  	s19 =	simm.s32 $0x400;
	s18 =	simm.s32 $0x200;
	[sflag:s12] =	ssyncset.done $0x0  }
.LBB2_2:
0x24: {  	s20 =	sshra.s32 s18, $0x2  }
0x25: {  	[sflag:s12] =	ssyncadd.s32 $0xFFFFC000;
	s18 =	smov.u32 s19;
	s21 =	sadd.s32 $0x200, s19  }
0x26: {  	[tilespmem:s15], [sflag:$0x1] =	stream.indirect.gather [hbm4b:s1+s14], $0x80, s20, s14, $0xb8;
	[tilespmem:$0x1CC00] =	vst v63  }
0x27: {  	p0 =	sne.s32 s19, $0x9E00;
	_ =	swait.ge [sflag:s16], $0x4000  }
.Ltmp0:
0x28: {  	[sflag:s16] =	ssyncset.done $0x0;
	(pc) =	sbr.rel @p0 .LBB2_2-.Ltmp0, $4  }
0x29: {  	s19 =	sadd.s32 $0x2800, s20;
	[sflag:s16] =	ssyncadd.s32 $0xFFFFC000  }
0x2a: {  	[spmem:s3] =	stream.indirect.scatter.add.f32 [tilespmem:s15], [sflag:$0x2], $0x80, s19, s14, $0xb8;
	[tilespmem:$0x1CC00] =	vst v63  }
0x2b: {  	_ =	swait.ge [sflag:s12], $0x4000  }
0x2c: {  	s19 =	smov.u32 s21;
	[sflag:s12] =	ssyncset.done $0x0  }
0x2d: {  	s18 =	sshra.s32 s18, $0x2;
	[sflag:s12] =	ssyncadd.s32 $0xFFFFC000  }
0x2e: {  	[tilespmem:s15], [sflag:$0x1] =	stream.indirect.gather [hbm4b:s1+s14], $0x80, s18, s14, $0xb8;
	[tilespmem:$0x1CC00] =	vst v63  }
0x2f: {  	_ =	swait.ge [sflag:s16], $0x4000  }
0x30: {  	[sflag:s16] =	ssyncset.done $0x0  }
0x31: {  	s18 =	sadd.s32 $0x2800, s18;
	[sflag:s16] =	ssyncadd.s32 $0xFFFFC000  }
0x32: {  	[spmem:s3] =	stream.indirect.scatter.add.f32 [tilespmem:s15], [sflag:$0x2], $0x80, s18, s14, $0xb8;
	[tilespmem:$0x1CC00] =	vst v63  }
0x33: {  	_ =	swait.ge [sflag:s12], $0x4000  }
0x34: {  	s17 =	sadd.s32 $0x1, s17;
	[sflag:s12] =	ssyncset.done $0x0  }
0x35: {  	p0 =	sne.s32 s17, s10;
	[sflag:s12] =	ssyncadd.s32 $0xFFFFC000  }
.Ltmp1:
0x36: {  	[bflag:$0x0] =	sbarrier.arrive $0xFFFF;
	(pc) =	sbr.rel @p0 .LBB2_1-.Ltmp1, $4  }
0x37: {  	[hbm:s9], [sflag:s6] =	dma.local [spmem:s11], $0x2780  }
0x38: {  	_ =	swait.ge [sflag:s12], $0x2780  }
0x39: {  	[sflag:s12] =	ssyncset.done $0x0  }
0x3a: {  	[sflag:s12] =	ssyncadd.s32 $0xFFFFD880  }
0x3b: {  	_ =	sfence.sel $0x180000  }
0x3c: {  	[bflag:$0x0] =	sbarrier.arrive $0xFFFF  }
0x3d: {  	p0 =	sne.s32 s0, $0x0;
	_ =	strace $0x90000050  }
0x3e: {  	s0 =	sadd.s32 @!p0 $0x100000, s2;
	[bflag:$0x2] =	sbarrier.arrive $0xFFFF  }
0x3f: {  	[sflag:s0] =	ssyncadd.tile.s32 @!p0 $0x1;
	_ =	shalt  }
.Lfunc_end2:
_tile_overlayer_lowered:
.L_overlay_start_2:
0x40: {  	(tag) =	ssettag $0x2  }
0x41: {  	s0 =	rddreg [dreg:$0x0];
	s2 =	stileid.u32  }
0x42: {  	s1 =	rddreg [dreg:$0x1];
	p0 =	sne.s32 s2, $0x0  }
0x43: {  	s3 =	rddreg [dreg:$0x2];
	[bflag:$0x3] =	sbarrier.arrive $0xFFFF;
	s2 =	simm.s32 @!p0 $0x1C02  }
0x44: {  	[timem:s3], [sflag:s2] =	dma.local @!p0 [hbm:s0], s1  }
0x45: {  	s0 =	simm.s32 @!p0 $0x2  }
0x46: {  	_ =	swait.ge @!p0 [sflag:s0], s1  }
0x47: {  	s1 =	ssub.s32 @!p0 $0x0, s1;
	[sflag:s0] =	ssyncset.done @!p0 $0x0  }
0x48: {  	[sflag:s0] =	ssyncadd.s32 @!p0 s1  }
0x49: {  	[bflag:$0x3] =	sbarrier.arrive $0xFFFF  }
0x4a: {  	_ =	shalt  }

// kernel: kernel.24.cloned.1.call-start
scs
__scs_entry_jumppad:
0x0: {  	(pc) =	sbr.rel $0x88, $3  }
0x1: {  	(tag) =	ssettag $0x0;
	lr =	simm.s32 $0x1  }
0x2: {  	[smem:$0x3F8D] =	sst lr;
	_ =	strace $0xD0000000  }
0x3: {  	_ = 	snop  }
0x4: {  	_ = 	snop  }
0x5: {  	_ = 	snop  }
0x6: {  	_ = 	snop  }
0x7: {  	_ = 	snop  }
__scs_overlays_trampoline_lowered:
0x8: {  	[smem:$0x3F9C] =	sst s0  }
0x9: {  	[smem:$0x3F9D] =	sst s1  }
0xa: {  	[smem:$0x3F9E] =	sst s2  }
0xb: {  	[smem:$0x3F9F] =	sst s3  }
0xc: {  	[smem:$0x3FA0] =	sst s4  }
0xd: {  	[smem:$0x3FA1] =	sst s5  }
0xe: {  	[smem:$0x3FA2] =	sst s6  }
0xf: {  	[smem:$0x3FA3] =	sst s7  }
0x10: {  	[smem:$0x3FA4] =	sst s8  }
0x11: {  	[smem:$0x3FA5] =	sst s9;
	s0 =	simm.s32 @!p0 $0x0  }
0x12: {  	s1 =	sld [smem:$0x3F8B];
	s0 =	simm.s32 @p0 $0x1  }
0x13: {  	[smem:$0x3FA6] =	sst s0;
	s0 =	simm.s32 @!p1 $0x0  }
0x14: {  	s2 =	sld [smem:$0x3F8A];
	s0 =	simm.s32 @p1 $0x1  }
0x15: {  	[smem:$0x3FA7] =	sst s0;
	s0 =	simm.s32 @!p2 $0x0  }
0x16: {  	s3 =	sld [smem:$0x3FDB];
	s0 =	simm.s32 @p2 $0x1  }
0x17: {  	s4 =	simm.s32 $0x1BF5;
	[smem:$0x3FA9] =	sst s0  }
0x18: {  	s0 =	sld [smem:$0x3F8C];
	_ =	swait.ge [sflag:s4], $0x0  }
0x19: {  	s7 =	sld [smem:$0x3F8D]  }
0x1a: {  	s8 =	sadd.s32 $0xFFFFE003, lr  }
0x1b: {  	s9 =	sadd.s32 $0xFFFFFEF7, lr;
	s5 =	simm.s32 $0xFFFFFFFF;
	p2 =	slt.u32 s8, $0xFFFFF086  }
0x1c: {  	p1 =	slt.u32 s9, $0xF7A;
	s5 =	simm.s32 @!p2 $0x0  }
0x1d: {  	s5 =	simm.s32 @p1 $0x1;
	p0 =	seq.s32 s7, s2  }
0x1e: {  	s7 =	smul.u32 @!p0 $0xF7A, s2;
	p2 =	seq.s32 @!p0 s5, $0x0  }
0x1f: {  	s9 =	smul.u32 $0xF7A, s1;
	s8 =	simm.s32 @!p0 $0x1BF5;
	p2 =	por !p2, p0  }
0x20: {  	[sflag:s8] =	ssyncset.s32 @!p0 $0xFFFFF086;
	s6 =	sadd.s32 @!p0 s3, s7;
	s7 =	simm.s32 @!p0 $0x108  }
0x21: {  	s3 =	sadd.s32 s3, s9;
	s6 =	sadd.s32 @!p0 $0x88, s6;
	s7 =	simm.s32 @p2 $0x1082  }
0x22: {  	[simem:s7], [sflag:s8] =	dma.local @!p0 [hbm:s6], $0xF7A  }
0x23: {  	s9 =	sor.u32 $0xD0000000, s2;
	s6 =	simm.s32 $0x108;
	_ =	swait.ge @!p0 [sflag:s8], $0x0  }
0x24: {  	s3 =	sadd.s32 $0x88, s3;
	s6 =	simm.s32 @!p1 $0x1082;
	[sflag:s4] =	ssyncset.s32 $0xFFFFF086  }
0x25: {  	[simem:s6], [sflag:s4] =	dma.local [hbm:s3], $0xF7A  }
0x26: {  	[smem:$0x3F8D] =	sst s1;
	(tag) =	ssettag s2;
	_ =	strace s9  }
0x27: {  	s1 =	sld [smem:$0x3F9D]  }
0x28: {  	s2 =	sld [smem:$0x3F9E]  }
0x29: {  	s4 =	sld [smem:$0x3FA0]  }
0x2a: {  	p0 =	seq.s32 s5, $0x0;
	s5 =	sld [smem:$0x3FA1]  }
0x2b: {  	s6 =	sld [smem:$0x3FA2]  }
0x2c: {  	s7 =	sld [smem:$0x3FA3]  }
0x2d: {  	s3 =	simm.s32 $0x108;
	s8 =	sld [smem:$0x3FA4]  }
0x2e: {  	s3 =	simm.s32 @!p0 $0x1082;
	s9 =	sld [smem:$0x3FA5]  }
0x2f: {  	lr =	sadd.s32 s0, s3;
	s0 =	sld [smem:$0x3F9C]  }
0x30: {  	s3 =	sld [smem:$0x3F9F]  }
0x31: {  	[smem:$0x3FA8] =	sst s10  }
0x32: {  	s10 =	sld [smem:$0x3FA6];
	_ =	sdelay $0x3  }
0x33: {  	p0 =	seq.s32 s10, $0x1;
	s10 =	sld [smem:$0x3FA8];
	_ =	sdelay $0x3  }
0x34: {  	[smem:$0x3FA8] =	sst s10  }
0x35: {  	s10 =	sld [smem:$0x3FA7];
	_ =	sdelay $0x3  }
0x36: {  	p1 =	seq.s32 s10, $0x1;
	s10 =	sld [smem:$0x3FA8];
	_ =	sdelay $0x3  }
0x37: {  	[smem:$0x3FA8] =	sst s10  }
0x38: {  	s10 =	sld [smem:$0x3FA9]  }
0x39: {  	_ = 	snop;
	(pc) =	sbr.ind lr, $3  }
0x3a: {  	_ = 	snop  }
0x3b: {  	_ = 	snop  }
0x3c: {  	p2 =	seq.s32 s10, $0x1;
	s10 =	sld [smem:$0x3FA8]  }
0x3d: {  	_ =	shalt  }
0x3e: {  	_ =	shalt  }
0x3f: {  	_ =	shalt  }
0x40: {  	_ =	shalt  }
0x41: {  	_ =	shalt  }
0x42: {  	_ =	shalt  }
0x43: {  	_ =	shalt  }
0x44: {  	_ =	shalt  }
0x45: {  	_ =	shalt  }
0x46: {  	_ =	shalt  }
0x47: {  	_ =	shalt  }
0x48: {  	_ =	shalt  }
0x49: {  	_ =	shalt  }
0x4a: {  	_ =	shalt  }
0x4b: {  	_ =	shalt  }
0x4c: {  	_ =	shalt  }
0x4d: {  	_ =	shalt  }
0x4e: {  	_ =	shalt  }
0x4f: {  	_ =	shalt  }
0x50: {  	_ =	shalt  }
0x51: {  	_ =	shalt  }
0x52: {  	_ =	shalt  }
0x53: {  	_ =	shalt  }
0x54: {  	_ =	shalt  }
0x55: {  	_ =	shalt  }
0x56: {  	_ =	shalt  }
0x57: {  	_ =	shalt  }
0x58: {  	_ =	shalt  }
0x59: {  	_ =	shalt  }
0x5a: {  	_ =	shalt  }
0x5b: {  	_ =	shalt  }
0x5c: {  	_ =	shalt  }
0x5d: {  	_ =	shalt  }
0x5e: {  	_ =	shalt  }
0x5f: {  	_ =	shalt  }
0x60: {  	_ =	shalt  }
0x61: {  	_ =	shalt  }
0x62: {  	_ =	shalt  }
0x63: {  	_ =	shalt  }
0x64: {  	_ =	shalt  }
0x65: {  	_ =	shalt  }
0x66: {  	_ =	shalt  }
0x67: {  	_ =	shalt  }
0x68: {  	_ =	shalt  }
0x69: {  	_ =	shalt  }
0x6a: {  	_ =	shalt  }
0x6b: {  	_ =	shalt  }
0x6c: {  	_ =	shalt  }
0x6d: {  	_ =	shalt  }
0x6e: {  	_ =	shalt  }
0x6f: {  	_ =	shalt  }
0x70: {  	_ =	shalt  }
0x71: {  	_ =	shalt  }
0x72: {  	_ =	shalt  }
0x73: {  	_ =	shalt  }
0x74: {  	_ =	shalt  }
0x75: {  	_ =	shalt  }
0x76: {  	_ =	shalt  }
0x77: {  	_ =	shalt  }
0x78: {  	_ =	shalt  }
0x79: {  	_ =	shalt  }
0x7a: {  	_ =	shalt  }
0x7b: {  	_ =	shalt  }
0x7c: {  	_ =	shalt  }
0x7d: {  	_ =	shalt  }
0x7e: {  	_ =	shalt  }
0x7f: {  	_ =	shalt  }
0x80: {  	_ =	shalt  }
0x81: {  	_ =	shalt  }
0x82: {  	_ =	shalt  }
0x83: {  	_ =	shalt  }
0x84: {  	_ =	shalt  }
0x85: {  	_ =	shalt  }
0x86: {  	_ =	shalt  }
0x87: {  	_ =	shalt  }
.Lfunc_end0:
.L_simem_size_0:
called_computation.4_lowered:
.L_overlay_start_0:
0x88: {  	s2 =	sld [smem:$0x3FD9]  }
0x89: {  	s3 =	sld [smem:$0x3FFE];
	_ =	sdelay $0x1  }
0x8a: {  	s1 =	srdreg.scid  }
0x8b: {  	s0 =	sand.u32 $0x1, s1  }
0x8c: {  	s17 =	sshll.u32 s0, $0xA;
	s2 =	sadd.s32 s3, s2  }
0x8d: {  	s2 =	sadd.s32 s2, s17  }
0x8e: {  	[smem:$0x3FB4] =	sst s2  }
0x8f: {  	_ = 	snop  }
0x90: {  	s2 =	sld [smem:$0x3FD0];
	(tm) =	ssettm $0x1  }
0x91: {  	s18 =	sld [smem:$0x3FFB];
	_ =	sdelay $0x3  }
0x92: {  	_ =	strace s18  }
0x93: {  	s3 =	sld [smem:$0x3FFC];
	_ =	sdelay $0x3  }
0x94: {  	_ =	strace s3  }
0x95: {  	s3 =	sld [smem:$0x3FFD];
	_ =	sdelay $0x3  }
0x96: {  	_ =	strace s3  }
0x97: {  	_ =	strace $0x8FFFFFFF  }
0x98: {  	s19 =	sld [smem:$0x3FDB];
	_ =	sdelay $0x1  }
0x99: {  	s4 =	simm.s32 $_scs_section_size  }
0x9a: {  	s5 =	simm.s32 $_size__tile_overlayer_lowered;
	s6 =	simm.s32 $_tile_overlayer_lowered  }
0x9b: {  	s22 =	simm.s32 $0x1BFF;
	s21 =	sshll.u32 s6, $0x1;
	s3 =	sadd.s32 s4, s19  }
0x9c: {  	s7 =	simm.s32 $0x0;
	s20 =	sshll.u32 s5, $0x1;
	s5 =	sadd.s32 s21, s3  }
0x9d: {  	[timem:s7], [sflag:s22] =	dma.local [hbm:s5], s20  }
0x9e: {  	_ =	swait.ge [sflag:s22], s20  }
0x9f: {  	s4 =	ssub.s32 $0x0, s20;
	[sflag:s22] =	ssyncset.done $0x0  }
0xa0: {  	[sflag:s22] =	ssyncadd.s32 s4;
	_ =	sdelay $0x1  }
0xa1: {  	s23 =	simm.s32 $0x1B8B  }
0xa2: {  	_ =	swait.ge [sflag:s23], $0x1  }
0xa3: {  	[sflag:s23] =	ssyncset.done $0x0  }
0xa4: {  	s25 =	simm.s32 $0x1B8E;
	s24 =	sld [smem:$0x3FFE];
	[sflag:s23] =	ssyncadd.s32 $0xFFFFFFFF  }
0xa5: {  	s26 =	simm.s32 $execute0_lowered;
	[smem:$0x3FD2] =	sst s25  }
0xa6: {  	s5 =	sshll.u32 s26, $0x1;
	_ =	strace $0x80000052;
	[dreg:$0x1] =	wrdreg $0xFFFFFFFF  }
0xa7: {  	s28 =	simm.s32 $_size_execute0_lowered;
	s3 =	sadd.s32 s3, s5;
	[dreg:$0x0] =	wrdreg $0x0  }
0xa8: {  	s5 =	sshll.u32 s28, $0x1;
	[dreg:$0x2] =	wrdreg s3  }
0xa9: {  	[dreg:$0x3] =	wrdreg s5  }
0xaa: {  	[dreg:$0x4] =	wrdreg $0xC0  }
0xab: {  	_ =	task [dreg:s7], $0x5FFFF  }
0xac: {  	[dreg:$0x1] =	wrdreg $0xFFFFFFFF  }
0xad: {  	[dreg:$0x0] =	wrdreg $0x60  }
0xae: {  	[dreg:$0x2] =	wrdreg s2  }
0xaf: {  	[dreg:$0x3] =	wrdreg s24  }
0xb0: {  	[dreg:$0x4] =	wrdreg $0x90000  }
0xb1: {  	[dreg:$0x5] =	wrdreg $0x9  }
0xb2: {  	_ =	task.clear_ibuf [dreg:s7], $0x6FFFF;
	_ =	strace $0x90000052  }
0xb3: {  	s29 =	simm.s32 $0x9;
	_ =	strace $0x80000054  }
0xb4: {  	_ =	swait.ge [sflag:s29], $0x1  }
0xb5: {  	[sflag:s29] =	ssyncadd.s32 $0xFFFFFFFF  }
0xb6: {  	_ =	strace $0x90000054  }
0xb7: {  	_ =	sfence  }
0xb8: {  	s30 =	sld [smem:$0x0];
	_ =	sdelay $0x2  }
0xb9: {  	s31 =	sshll.u32 s1, $0xD;
	s1 =	sshrl.u32 s1, $0x2  }
0xba: {  	s3 =	sand.u32 $0x4000, s31;
	s1 =	sadd.s32 s1, s30  }
0xbb: {  	s0 =	sor.u32 s3, s0;
	s1 =	sshll.u32 s1, $0x11  }
0xbc: {  	s0 =	sor.u32 s1, s0  }
0xbd: {  	s0 =	sadd.s32 $0x8F2B, s0  }
0xbe: {  	[sflag:s0] =	ssyncadd.remote.s32 $0x1  }
0xbf: {  	_ =	sfence.sel $0xFFFF  }
0xc0: {  	[dreg:$0x0] =	wrdreg $0xFFFFFFFF;
	(pc) =	sbr.abs _section_cstart, $3  }
0xc1: {  	[dreg:$0x1] =	wrdreg $0xFFFFFFFF  }
0xc2: {  	_ =	task.clear_ibuf [dreg:s7], $0x2FFFF;
	_ =	strace $0x9FFFFFFF  }
0xc3: {  	(tm) =	ssettm $0x7FFFFFFF  }
tec
execute0_lowered:
.L_overlay_start_1:
0x0: {  	(tag) =	ssettag $0x1  }
0x1: {  	s1 =	rddreg [dreg:$0x0]  }
0x2: {  	s2 =	srdreg.scid;
	s6 =	rddreg [dreg:$0x1]  }
0x3: {  	s0 =	stileid.u32;
	s3 =	rddreg [dreg:$0x2]  }
0x4: {  	s4 =	simm.s32 $0x0;
	s14 =	simm.s32 $0x80;
	s15 =	simm.s32 $0x5000  }
0x5: {  	s16 =	simm.s32 $0x1;
	s17 =	simm.s32 $0x0;
	s8 =	smul.u32 $0x13C00, s0  }
0x6: {  	s5 =	sand.u32 $0x1, s2;
	s26 =	sshll.u32 s0, $0x1;
	s29 =	smul.u32 $0x4F000, s0  }
0x7: {  	[smem:$0x7FF] =	sst s4;
	s2 =	sor.u32 s5, s26;
	s9 =	smul.u32 $0x13C000, s5  }
0x8: {  	s31 =	sshll.u32 s0, $0x6;
	s5 =	ssub.s32 $0x2, s5;
	s7 =	smul.u32 $0x500, s2  }
0x9: {  	s2 =	rddreg [dreg:$0x3];
	_ =	strace $0x80000053;
	s28 =	sshrl.u32 s8, $0x3  }
0xa: {  	s11 =	sshrl.u32 s5, $0x1;
	s30 =	sshrl.u32 s29, $0x2;
	s8 =	sadd.s32 s8, s9  }
0xb: {  	s11 =	ssub.s32 s5, s11;
	s13 =	sadd.s32 s30, s3;
	s8 =	sshrl.u32 s8, $0x3  }
0xc: {  	s10 =	sadd.s32 s7, s6;
	s7 =	sadd.s32 s28, s6;
	s12 =	sadd.s32 s8, s6  }
0xd: {  	s5 =	sadd.s32 $0x19600, s7;
	s6 =	sor.u32 $0x1C02, s31;
	s7 =	sadd.s32 $0x5600, s10  }
0xe: {  	s8 =	sadd.s32 $0xF600, s10;
	s10 =	smax.u32 s11, $0x1;
	s11 =	sshrl.u32 s13, $0x3  }
0xf: {  	s13 =	simm.s32 $0x2800;
	s9 =	sadd.s32 $0x8FE00, s12;
	s12 =	simm.s32 $0x2  }
.LBB2_1:
0x10: {  	[spmem:s11], [sflag:s6] =	dma.local [hbm:s5], $0x2780  }
0x11: {  	_ =	swait.ge [sflag:s12], $0x2780  }
0x12: {  	[sflag:s12] =	ssyncset.done $0x0  }
0x13: {  	[sflag:s12] =	ssyncadd.s32 $0xFFFFD880  }
0x14: {  	[tilespmem:s4], [sflag:$0x2] =	stream.linear.gather [hbm4b:s7+s4], $0x2800, $0x38;
	[tilespmem:$0x1CC00] =	vst v63  }
0x15: {  	_ =	swait.ge [sflag:s12], $0x2800  }
0x16: {  	[sflag:s12] =	ssyncset.done $0x0  }
0x17: {  	[sflag:s12] =	ssyncadd.s32 $0xFFFFD800  }
0x18: {  	[tilespmem:s13], [sflag:$0x2] =	stream.linear.gather [hbm4b:s8+s4], $0x2800, $0x38;
	[tilespmem:$0x1CC00] =	vst v63  }
0x19: {  	_ =	swait.ge [sflag:s12], $0x2800  }
0x1a: {  	[sflag:s12] =	ssyncset.done $0x0  }
0x1b: {  	[sflag:s12] =	ssyncadd.s32 $0xFFFFD800  }
0x1c: {  	s18 =	simm.s32 $0x0;
	[bflag:$0x0] =	sbarrier.arrive $0xFFFF  }
0x1d: {  	[tilespmem:s15], [sflag:$0x1] =	stream.indirect.gather [hbm4b:s1+s14], $0x80, s18, s14, $0xb8;
	[tilespmem:$0x1CC00] =	vst v63  }
0x1e: {  	_ =	swait.ge [sflag:s16], $0x4000  }
0x1f: {  	[sflag:s16] =	ssyncset.done $0x0  }
0x20: {  	s31 =	simm.s32 $0x2800;
	[sflag:s16] =	ssyncadd.s32 $0xFFFFC000  }
0x21: {  	[spmem:s3] =	stream.indirect.scatter.add.f32 [tilespmem:s15], [sflag:$0x2], $0x80, s31, s14, $0xb8;
	[tilespmem:$0x1CC00] =	vst v63  }
0x22: {  	_ =	swait.ge [sflag:s12], $0x4000  }
0x23: {  	s19 =	simm.s32 $0x400;
	s18 =	simm.s32 $0x200;
	[sflag:s12] =	ssyncset.done $0x0  }
.LBB2_2:
0x24: {  	s20 =	sshra.s32 s18, $0x2  }
0x25: {  	[sflag:s12] =	ssyncadd.s32 $0xFFFFC000;
	s18 =	smov.u32 s19;
	s21 =	sadd.s32 $0x200, s19  }
0x26: {  	[tilespmem:s15], [sflag:$0x1] =	stream.indirect.gather [hbm4b:s1+s14], $0x80, s20, s14, $0xb8;
	[tilespmem:$0x1CC00] =	vst v63  }
0x27: {  	p0 =	sne.s32 s19, $0x9E00;
	_ =	swait.ge [sflag:s16], $0x4000  }
.Ltmp0:
0x28: {  	[sflag:s16] =	ssyncset.done $0x0;
	(pc) =	sbr.rel @p0 .LBB2_2-.Ltmp0, $4  }
0x29: {  	s19 =	sadd.s32 $0x2800, s20;
	[sflag:s16] =	ssyncadd.s32 $0xFFFFC000  }
0x2a: {  	[spmem:s3] =	stream.indirect.scatter.add.f32 [tilespmem:s15], [sflag:$0x2], $0x80, s19, s14, $0xb8;
	[tilespmem:$0x1CC00] =	vst v63  }
0x2b: {  	_ =	swait.ge [sflag:s12], $0x4000  }
0x2c: {  	s19 =	smov.u32 s21;
	[sflag:s12] =	ssyncset.done $0x0  }
0x2d: {  	s18 =	sshra.s32 s18, $0x2;
	[sflag:s12] =	ssyncadd.s32 $0xFFFFC000  }
0x2e: {  	[tilespmem:s15], [sflag:$0x1] =	stream.indirect.gather [hbm4b:s1+s14], $0x80, s18, s14, $0xb8;
	[tilespmem:$0x1CC00] =	vst v63  }
0x2f: {  	_ =	swait.ge [sflag:s16], $0x4000  }
0x30: {  	[sflag:s16] =	ssyncset.done $0x0  }
0x31: {  	s18 =	sadd.s32 $0x2800, s18;
	[sflag:s16] =	ssyncadd.s32 $0xFFFFC000  }
0x32: {  	[spmem:s3] =	stream.indirect.scatter.add.f32 [tilespmem:s15], [sflag:$0x2], $0x80, s18, s14, $0xb8;
	[tilespmem:$0x1CC00] =	vst v63  }
0x33: {  	_ =	swait.ge [sflag:s12], $0x4000  }
0x34: {  	s17 =	sadd.s32 $0x1, s17;
	[sflag:s12] =	ssyncset.done $0x0  }
0x35: {  	p0 =	sne.s32 s17, s10;
	[sflag:s12] =	ssyncadd.s32 $0xFFFFC000  }
.Ltmp1:
0x36: {  	[bflag:$0x0] =	sbarrier.arrive $0xFFFF;
	(pc) =	sbr.rel @p0 .LBB2_1-.Ltmp1, $4  }
0x37: {  	[hbm:s9], [sflag:s6] =	dma.local [spmem:s11], $0x2780  }
0x38: {  	_ =	swait.ge [sflag:s12], $0x2780  }
0x39: {  	[sflag:s12] =	ssyncset.done $0x0  }
0x3a: {  	[sflag:s12] =	ssyncadd.s32 $0xFFFFD880  }
0x3b: {  	_ =	sfence.sel $0x180000  }
0x3c: {  	[bflag:$0x0] =	sbarrier.arrive $0xFFFF  }
0x3d: {  	p0 =	sne.s32 s0, $0x0;
	_ =	strace $0x90000053  }
0x3e: {  	s0 =	sadd.s32 @!p0 $0x100000, s2;
	[bflag:$0x2] =	sbarrier.arrive $0xFFFF  }
0x3f: {  	[sflag:s0] =	ssyncadd.tile.s32 @!p0 $0x1;
	_ =	shalt  }
.Lfunc_end2:
_tile_overlayer_lowered:
.L_overlay_start_2:
0x40: {  	(tag) =	ssettag $0x2  }
0x41: {  	s0 =	rddreg [dreg:$0x0];
	s2 =	stileid.u32  }
0x42: {  	s1 =	rddreg [dreg:$0x1];
	p0 =	sne.s32 s2, $0x0  }
0x43: {  	s3 =	rddreg [dreg:$0x2];
	[bflag:$0x3] =	sbarrier.arrive $0xFFFF;
	s2 =	simm.s32 @!p0 $0x1C02  }
0x44: {  	[timem:s3], [sflag:s2] =	dma.local @!p0 [hbm:s0], s1  }
0x45: {  	s0 =	simm.s32 @!p0 $0x2  }
0x46: {  	_ =	swait.ge @!p0 [sflag:s0], s1  }
0x47: {  	s1 =	ssub.s32 @!p0 $0x0, s1;
	[sflag:s0] =	ssyncset.done @!p0 $0x0  }
0x48: {  	[sflag:s0] =	ssyncadd.s32 @!p0 s1  }
0x49: {  	[bflag:$0x3] =	sbarrier.arrive $0xFFFF  }
0x4a: {  	_ =	shalt  }

</sc_bundles>
